<compile_context>
chip_gen: v7x
topology: tpu7x:2x2x1
jax: 0.10.2.dev20260603
libtpu: 0.0.44.dev20260713+nightly
codegen_flags: <defaults>
</compile_context>

<pallas_src>
import functools

import jax
import jax.numpy as jnp
from jax import lax
from jax.experimental import pallas as pl
from jax.experimental.pallas import tpu as pltpu
from jax.experimental.pallas import tpu_sc as plsc

N = 10000
E = 160000
D = 128
R = 4
OUT = 128

NC = 2
NS = 16
NW = NC * NS
C = 32
T = -(-E // (NW * C))
E_PAD = T * NW * C
EB = E_PAD // 128
NROW = 10016
DUMMY = N
DEGW = 16
RPT = NROW // NS
BM = 2000


def _tab_body(h_ref, rc_ref, o_ref):
    o_ref[0] = jnp.dot(h_ref[...], rc_ref[0], preferred_element_type=jnp.float32)


def _make_tab(h, rc):
    return pl.pallas_call(
        _tab_body,
        grid=(2 * R, N // BM),
        in_specs=[
            pl.BlockSpec((BM, D), lambda j, m: (m, 0)),
            pl.BlockSpec((1, D, D), lambda j, m: (j, 0, 0)),
        ],
        out_specs=pl.BlockSpec((1, BM, D), lambda j, m: (j, m, 0)),
        out_shape=jax.ShapeDtypeStruct((2 * R, N, D), jnp.float32),
    )(h, rc)


def _idx_body(s_ref, d_ref, t_ref, o_ref):
    t_n = t_ref[...] * N
    o_ref[0] = t_n + d_ref[...]
    o_ref[1] = t_n + s_ref[...] + R * N
    o_ref[2] = s_ref[...]
    o_ref[3] = d_ref[...]


def _make_idx(srcp, dstp, typp):
    return pl.pallas_call(
        _idx_body,
        out_shape=jax.ShapeDtypeStruct((4, EB, 128), jnp.int32),
    )(srcp.reshape(EB, 128), dstp.reshape(EB, 128), typp.reshape(EB, 128))


def _sc_body(tab, hh, idx4, zer, out_s, out_d,
             acc, dacc, idx0, idx1, a0, a1, b0, b1, g0, g1, m0, m1, ones_v, sem):
    c = lax.axis_index("c")
    s = lax.axis_index("s")
    wid = s * NC + c

    pltpu.sync_copy(zer.at[pl.ds(s * RPT, RPT)], acc.at[pl.ds(s * RPT, RPT)])
    pltpu.sync_copy(zer.at[pl.ds(s * RPT, RPT), pl.ds(0, DEGW)],
                    dacc.at[pl.ds(s * RPT, RPT)])

    idx16 = lax.iota(jnp.int32, 16)
    unit = jnp.where(idx16 == 0, jnp.float32(1.0), jnp.float32(0.0))

    def init_ones(e, carry):
        ones_v[e, pl.ds(0, DEGW)] = unit
        return carry

    lax.fori_loop(0, C, init_ones, 0)
    plsc.subcore_barrier()

    slots = ((idx0, a0, b0, g0, m0), (idx1, a1, b1, g1, m1))

    def fire(i, sl):
        idx_v, a_v, b_v, g_v, _ = slots[sl]
        base = pl.multiple_of((wid + NW * i) * C, 16)
        pltpu.sync_copy(idx4.at[:, pl.ds(base, C)], idx_v)
        pltpu.async_copy(tab.at[idx_v.at[0]], a_v, sem.at[sl])
        pltpu.async_copy(tab.at[idx_v.at[1]], b_v, sem.at[sl])
        pltpu.async_copy(hh.at[idx_v.at[2]], g_v, sem.at[sl])

    fire(0, 0)

    def process(i, sl):
        idx_v, a_v, b_v, g_v, m_v = slots[sl]

        @pl.when(i < T - 1)
        def _():
            fire(i + 1, 1 - sl)

        pltpu.make_async_copy(tab.at[idx_v.at[0]], a_v, sem.at[sl]).wait()
        pltpu.make_async_copy(tab.at[idx_v.at[1]], b_v, sem.at[sl]).wait()
        pltpu.make_async_copy(hh.at[idx_v.at[2]], g_v, sem.at[sl]).wait()

        def _edge(e, ecarry):
            for k in range(D // 16):
                ds = pl.ds(k * 16, 16)
                x = a_v[e, ds] + b_v[e, ds]
                gate = 1.0 / (1.0 + jnp.exp(-x))
                m_v[e, ds] = g_v[e, ds] * gate
            return ecarry

        lax.fori_loop(0, C, _edge, 0)

        pltpu.sync_copy(m_v, acc.at[idx_v.at[3]], add=True)
        pltpu.sync_copy(ones_v, dacc.at[idx_v.at[3]], add=True)

    def chunk(i, carry):
        lax.cond(lax.rem(i, 2) == 0,
                 lambda: process(i, 0),
                 lambda: process(i, 1))
        return carry

    lax.fori_loop(0, T, chunk, 0)
    plsc.subcore_barrier()
    pltpu.sync_copy(acc.at[pl.ds(s * RPT, RPT)], out_s.at[c, pl.ds(s * RPT, RPT)])
    pltpu.sync_copy(dacc.at[pl.ds(s * RPT, RPT)], out_d.at[c, pl.ds(s * RPT, RPT)])


def _sc_call(tab, h, idx4, zer):
    mesh = plsc.VectorSubcoreMesh(
        core_axis_name="c", subcore_axis_name="s", num_cores=NC, num_subcores=NS)
    k = pl.kernel(
        _sc_body,
        out_type=(jax.ShapeDtypeStruct((NC, NROW, D), jnp.float32),
                  jax.ShapeDtypeStruct((NC, NROW, DEGW), jnp.float32)),
        mesh=mesh,
        compiler_params=pltpu.CompilerParams(use_tc_tiling_on_sc=False),
        scratch_types=[
            pltpu.VMEM_SHARED((NROW, D), jnp.float32),
            pltpu.VMEM_SHARED((NROW, DEGW), jnp.float32),
            pltpu.VMEM((4, C), jnp.int32),
            pltpu.VMEM((4, C), jnp.int32),
            pltpu.VMEM((C, D), jnp.float32),
            pltpu.VMEM((C, D), jnp.float32),
            pltpu.VMEM((C, D), jnp.float32),
            pltpu.VMEM((C, D), jnp.float32),
            pltpu.VMEM((C, D), jnp.float32),
            pltpu.VMEM((C, D), jnp.float32),
            pltpu.VMEM((C, D), jnp.float32),
            pltpu.VMEM((C, D), jnp.float32),
            pltpu.VMEM((C, DEGW), jnp.float32),
            pltpu.SemaphoreType.DMA((2,)),
        ],
    )
    return k(tab, h, idx4, zer)


def _final_body(p_ref, d_ref, h_ref, w_ref, b_ref, o_ref):
    ssum = p_ref[0] + p_ref[1]
    deg = d_ref[0, :, :1] + d_ref[1, :, :1]
    h_n = ssum / jnp.maximum(deg, 1.0)
    res = (jnp.dot(h_ref[...], w_ref[:D], preferred_element_type=jnp.float32)
           + jnp.dot(h_n, w_ref[D:], preferred_element_type=jnp.float32)
           + b_ref[...])
    o_ref[...] = jnp.where(res >= 0, res, 0.01 * res)


def _final(psum, pdeg, h, W, b2):
    return pl.pallas_call(
        _final_body,
        grid=(N // BM,),
        in_specs=[
            pl.BlockSpec((NC, BM, D), lambda m: (0, m, 0)),
            pl.BlockSpec((NC, BM, DEGW), lambda m: (0, m, 0)),
            pl.BlockSpec((BM, D), lambda m: (m, 0)),
            pl.BlockSpec((2 * D, OUT), lambda m: (0, 0)),
            pl.BlockSpec((1, OUT), lambda m: (0, 0)),
        ],
        out_specs=pl.BlockSpec((BM, OUT), lambda m: (m, 0)),
        out_shape=jax.ShapeDtypeStruct((N, OUT), jnp.float32),
    )(psum, pdeg, h, W, b2)


def kernel(h, edge_index, edge_type, r, W, b):
    rc = jnp.concatenate([r[:, :D, :], r[:, D:, :]], axis=0)
    tab = _make_tab(h, rc).reshape(2 * R * N, D)
    pad = E_PAD - E
    srcp = jnp.concatenate([edge_index[0], jnp.zeros((pad,), jnp.int32)])
    dstp = jnp.concatenate([edge_index[1], jnp.full((pad,), DUMMY, jnp.int32)])
    typp = jnp.concatenate([edge_type, jnp.zeros((pad,), jnp.int32)])
    idx4 = _make_idx(srcp, dstp, typp).reshape(4, E_PAD)
    zer = jnp.zeros((NROW, D), jnp.float32)
    psum, pdeg = _sc_call(tab, h, idx4, zer)
    return _final(psum, pdeg, h, W, b.reshape(1, OUT))

# --- scband reference (transcript-rebuilt; emitter-appended) ---
"""Pipeline reference for scband-simple-rec-conv-32341103739244 (READ-ONLY COPY).

The authoritative reference and input builder live on the scoring server;
editing this copy changes nothing except your own understanding.
"""

import jax, jax.numpy as jnp
import numpy as np

N = 10000
E = 160000
D = 128
R = 4
OUT = 128


def setup_inputs(seed: int = 0) -> dict:
    key = jax.random.key(seed)
    ks = jax.random.split(key, 6)
    h = jax.random.normal(ks[0], (N, D), dtype=jnp.float32)
    edge_index = jax.random.randint(ks[1], (2, E), 0, N, dtype=jnp.int32)
    edge_type = jax.random.randint(ks[2], (E,), 0, R, dtype=jnp.int32)
    r = jax.random.normal(ks[3], (R, 2 * D, D), dtype=jnp.float32) * 0.05
    W = jax.random.normal(ks[4], (2 * D, OUT), dtype=jnp.float32) * 0.05
    b = jax.random.normal(ks[5], (OUT,), dtype=jnp.float32) * 0.05
    return {"h": h, "edge_index": edge_index, "edge_type": edge_type, "r": r, "W": W, "b": b}


def reference(h, edge_index, edge_type, r, W, b):
    # SimpleRecConv defaults: gate_type='concat', aggregator='graphsage',
    # relations=True, softmax=False, attention=None, activation=True, normalize=False
    src = edge_index[0]
    dst = edge_index[1]
    src_h = jnp.take(h, src, axis=0)   # object_emb  (edges.src['h'])
    dst_h = jnp.take(h, dst, axis=0)   # subject_emb (edges.dst['h'])
    # gates: einsum('bd,bdc->bc', cat(subject, object), r[type]) then sigmoid.
    # Math-equivalent form: compute against all R relations, then select per edge type.
    cat_so = jnp.concatenate([dst_h, src_h], axis=-1)                 # [E, 2D]
    all_g = jnp.einsum('ed,rdc->erc', cat_so, r)                      # [E, R, D]
    gates = jnp.take_along_axis(all_g, edge_type[:, None, None].astype(jnp.int32), axis=1)[:, 0, :]
    gates = jax.nn.sigmoid(gates)                                     # [E, D]
    # message = u_mul_e('h','scale'), reduce = mean over incoming edges
    m = src_h * gates                                                 # [E, D]
    sums = jax.ops.segment_sum(m, dst, num_segments=N)                # [N, D]
    deg = jax.ops.segment_sum(jnp.ones((E,), dtype=h.dtype), dst, num_segments=N)
    h_N = sums / jnp.maximum(deg, 1.0)[:, None]
    # graphsage aggregator: linear(cat(h, h_N)) then LeakyReLU
    c = jnp.concatenate([h, h_N], axis=-1)                            # [N, 2D]
    out = c @ W + b
    out = jax.nn.leaky_relu(out, negative_slope=0.01)
    return out

if __name__ == "__main__":
    import jax
    _d = setup_inputs()
    print(jax.jit(kernel)(*tuple(_d.values())))

</pallas_src>

<mosaic_0001>
#map = affine_map<(d0, d1) -> (0, 0)>
#map1 = affine_map<(d0, d1) -> (0, 0, 0)>
module attributes {stable_mosaic.version = 14 : i64} {
  func.func @_sc_body(%arg0: i32, %arg1: i32, %arg2: memref<80000x128xf32, #tpu.memory_space<hbm>>, %arg3: memref<10000x128xf32, #tpu.memory_space<hbm>>, %arg4: memref<4x160768xi32, #tpu.memory_space<hbm>>, %arg5: memref<10016x128xf32, #tpu.memory_space<hbm>>, %arg6: memref<2x10016x128xf32, #tpu.memory_space<hbm>>, %arg7: memref<2x10016x16xf32, #tpu.memory_space<hbm>>, %arg8: memref<10016x128xf32, #tpu.memory_space<vmem_shared>>, %arg9: memref<10016x16xf32, #tpu.memory_space<vmem_shared>>, %arg10: memref<4x32xi32, #tpu.memory_space<vmem>>, %arg11: memref<4x32xi32, #tpu.memory_space<vmem>>, %arg12: memref<32x128xf32, #tpu.memory_space<vmem>>, %arg13: memref<32x128xf32, #tpu.memory_space<vmem>>, %arg14: memref<32x128xf32, #tpu.memory_space<vmem>>, %arg15: memref<32x128xf32, #tpu.memory_space<vmem>>, %arg16: memref<32x128xf32, #tpu.memory_space<vmem>>, %arg17: memref<32x128xf32, #tpu.memory_space<vmem>>, %arg18: memref<32x128xf32, #tpu.memory_space<vmem>>, %arg19: memref<32x128xf32, #tpu.memory_space<vmem>>, %arg20: memref<32x16xf32, #tpu.memory_space<vmem>>, %arg21: memref<2x!tpu.dma_semaphore, #tpu.memory_space<semaphore_mem>>) attributes {dimension_semantics = [#tpu.dimension_semantics<core_parallel>, #tpu.dimension_semantics<subcore_parallel>], iteration_bounds = array<i64: 2, 16>, scalar_prefetch = 0 : i64, scratch_operands = 14 : i64, tpu.core_type = #tpu.core_type<sc_vector_subcore>, window_params = [{transform_indices = #map}, {transform_indices = #map}, {transform_indices = #map}, {transform_indices = #map}, {transform_indices = #map1}, {transform_indices = #map1}]} {
    %mul3A = arith.constant 2 : i32
    %mul3A_0 = arith.muli %arg1, %mul3A : i32
    %add3A = arith.addi %mul3A_0, %arg0 : i32
    %mul3A_1 = arith.constant 626 : i32
    %mul3A_2 = arith.muli %arg1, %mul3A_1 : i32
    %mul3A_3 = arith.constant 626 : i32
    %mul3A_4 = arith.muli %arg1, %mul3A_3 : i32
    "tpu.region"() ({
      %run_scoped3A = tpu.sem_alloc : memref<!tpu.dma_semaphore, #tpu.memory_space<semaphore_mem>>
      %dma_start3A_66 = arith.constant 0 : i32
      %dma_start3A_67 = tpu.memref_slice %arg8[%mul3A_4, %dma_start3A_66] : memref<10016x128xf32, #tpu.memory_space<vmem_shared>> -> memref<626x128xf32, #tpu.memory_space<vmem_shared>>
      %dma_start3A_68 = arith.constant 0 : i32
      %dma_start3A_69 = tpu.memref_slice %arg5[%mul3A_2, %dma_start3A_68] : memref<10016x128xf32, #tpu.memory_space<hbm>> -> memref<626x128xf32, #tpu.memory_space<hbm>>
      tpu.enqueue_dma source(%dma_start3A_69 : memref<626x128xf32, #tpu.memory_space<hbm>>) target(%dma_start3A_67 : memref<626x128xf32, #tpu.memory_space<vmem_shared>>) target_semaphore(%run_scoped3A : memref<!tpu.dma_semaphore, #tpu.memory_space<semaphore_mem>>)
      %dma_wait3A = arith.constant 0 : i32
      %dma_wait3A_70 = tpu.memref_slice %arg8[%mul3A_4, %dma_wait3A] : memref<10016x128xf32, #tpu.memory_space<vmem_shared>> -> memref<626x128xf32, #tpu.memory_space<vmem_shared>>
      %dma_wait3A_71 = arith.constant 0 : i32
      %dma_wait3A_72 = tpu.memref_slice %arg5[%mul3A_2, %dma_wait3A_71] : memref<10016x128xf32, #tpu.memory_space<hbm>> -> memref<626x128xf32, #tpu.memory_space<hbm>>
      tpu.wait_dma2 semaphore(%run_scoped3A : memref<!tpu.dma_semaphore, #tpu.memory_space<semaphore_mem>>) src(%dma_wait3A_72 : memref<626x128xf32, #tpu.memory_space<hbm>>) dst(%dma_wait3A_70 : memref<626x128xf32, #tpu.memory_space<vmem_shared>>)
      tpu.yield
    }) : () -> ()
    %mul3A_5 = arith.constant 626 : i32
    %mul3A_6 = arith.muli %arg1, %mul3A_5 : i32
    %mul3A_7 = arith.constant 626 : i32
    %mul3A_8 = arith.muli %arg1, %mul3A_7 : i32
    "tpu.region"() ({
      %run_scoped3A = tpu.sem_alloc : memref<!tpu.dma_semaphore, #tpu.memory_space<semaphore_mem>>
      %dma_start3A_66 = arith.constant 0 : i32
      %dma_start3A_67 = tpu.memref_slice %arg9[%mul3A_8, %dma_start3A_66] : memref<10016x16xf32, #tpu.memory_space<vmem_shared>> -> memref<626x16xf32, #tpu.memory_space<vmem_shared>>
      %dma_start3A_68 = arith.constant 0 : i32
      %dma_start3A_69 = tpu.memref_slice %arg5[%mul3A_6, %dma_start3A_68] : memref<10016x128xf32, #tpu.memory_space<hbm>> -> memref<626x16xf32, #tpu.memory_space<hbm>>
      tpu.enqueue_dma source(%dma_start3A_69 : memref<626x16xf32, #tpu.memory_space<hbm>>) target(%dma_start3A_67 : memref<626x16xf32, #tpu.memory_space<vmem_shared>>) target_semaphore(%run_scoped3A : memref<!tpu.dma_semaphore, #tpu.memory_space<semaphore_mem>>)
      %dma_wait3A = arith.constant 0 : i32
      %dma_wait3A_70 = tpu.memref_slice %arg9[%mul3A_8, %dma_wait3A] : memref<10016x16xf32, #tpu.memory_space<vmem_shared>> -> memref<626x16xf32, #tpu.memory_space<vmem_shared>>
      %dma_wait3A_71 = arith.constant 0 : i32
      %dma_wait3A_72 = tpu.memref_slice %arg5[%mul3A_6, %dma_wait3A_71] : memref<10016x128xf32, #tpu.memory_space<hbm>> -> memref<626x16xf32, #tpu.memory_space<hbm>>
      tpu.wait_dma2 semaphore(%run_scoped3A : memref<!tpu.dma_semaphore, #tpu.memory_space<semaphore_mem>>) src(%dma_wait3A_72 : memref<626x16xf32, #tpu.memory_space<hbm>>) dst(%dma_wait3A_70 : memref<626x16xf32, #tpu.memory_space<vmem_shared>>)
      tpu.yield
    }) : () -> ()
    %iota3A = tpu.iota {dimensions = array<i32: 0>} : vector<16xi32>
    %eq3A = arith.constant 0 : i32
    %eq3A_9 = vector.broadcast %eq3A : i32 to vector<16xi32>
    %eq3A_10 = arith.cmpi eq, %iota3A, %eq3A_9 : vector<16xi32>
    %jit3A = arith.constant 1.000000e+00 : f32
    %jit3A_11 = arith.constant 0.000000e+00 : f32
    %broadcast_in_dim3A = vector.broadcast %jit3A : f32 to vector<16xf32>
    %broadcast_in_dim3A_12 = vector.broadcast %jit3A_11 : f32 to vector<16xf32>
    %select_n3A = arith.select %eq3A_10, %broadcast_in_dim3A, %broadcast_in_dim3A_12 : vector<16xi1>, vector<16xf32>
    %scan3A = arith.constant 0 : i32
    %scan3A_13 = arith.constant 0 : i32
    %scan3A_14 = arith.constant 32 : i32
    %scan3A_15 = arith.addi %scan3A_13, %scan3A_14 : i32
    %scan3A_16 = arith.constant 1 : i32
    scf.for %scan3A_66 = %scan3A_13 to %scan3A_15 step %scan3A_16  : i32 {
      %swap3A = arith.index_cast %scan3A_66 : i32 to index
      %swap3A_67 = arith.constant 0 : index
      %swap3A_68 = tpu.vector_load %arg20[%swap3A, %swap3A_67] {strides = array<i32>} : memref<32x16xf32, #tpu.memory_space<vmem>>, vector<1x16xf32>,
      %swap3A_69 = vector.shape_cast %swap3A_68 : vector<1x16xf32> to vector<16xf32>
      %swap3A_70 = vector.shape_cast %select_n3A : vector<16xf32> to vector<1x16xf32>
      tpu.vector_store %arg20[%swap3A, %swap3A_67], %swap3A_70 {strides = array<i32>} : memref<32x16xf32, #tpu.memory_space<vmem>>, vector<1x16xf32>,
    }
    %scan3A_17 = arith.constant 32 : i32
    %barrier3A = arith.constant 0 : index
    tpu.barrier barrier_id(%barrier3A)
    %add3A_18 = arith.constant 0 : i32
    %add3A_19 = arith.addi %add3A, %add3A_18 : i32
    %mul3A_20 = arith.constant 32 : i32
    %mul3A_21 = arith.muli %add3A_19, %mul3A_20 : i32
    %multiple_of3A = tpu.assume_multiple %mul3A_21, 16 : i32
    "tpu.region"() ({
      %run_scoped3A = tpu.sem_alloc : memref<!tpu.dma_semaphore, #tpu.memory_space<semaphore_mem>>
      %dma_start3A_66 = arith.constant 0 : i32
      %dma_start3A_67 = tpu.memref_slice %arg4[%dma_start3A_66, %multiple_of3A] : memref<4x160768xi32, #tpu.memory_space<hbm>> -> memref<4x32xi32, #tpu.memory_space<hbm>>
      %dma_start3A_68 = arith.constant 0 : i32
      %dma_start3A_69 = tpu.memref_slice %arg4[%dma_start3A_68, %multiple_of3A] : memref<4x160768xi32, #tpu.memory_space<hbm>> -> memref<4x32xi32, #tpu.memory_space<hbm>>
      tpu.enqueue_dma source(%dma_start3A_69 : memref<4x32xi32, #tpu.memory_space<hbm>>) target(%arg10 : memref<4x32xi32, #tpu.memory_space<vmem>>) target_semaphore(%run_scoped3A : memref<!tpu.dma_semaphore, #tpu.memory_space<semaphore_mem>>)
      %dma_wait3A = arith.constant 0 : i32
      %dma_wait3A_70 = tpu.memref_slice %arg4[%dma_wait3A, %multiple_of3A] : memref<4x160768xi32, #tpu.memory_space<hbm>> -> memref<4x32xi32, #tpu.memory_space<hbm>>
      %dma_wait3A_71 = arith.constant 0 : i32
      %dma_wait3A_72 = tpu.memref_slice %arg4[%dma_wait3A_71, %multiple_of3A] : memref<4x160768xi32, #tpu.memory_space<hbm>> -> memref<4x32xi32, #tpu.memory_space<hbm>>
      tpu.wait_dma2 semaphore(%run_scoped3A : memref<!tpu.dma_semaphore, #tpu.memory_space<semaphore_mem>>) src(%dma_wait3A_72 : memref<4x32xi32, #tpu.memory_space<hbm>>) dst(%arg10 : memref<4x32xi32, #tpu.memory_space<vmem>>)
      tpu.yield
    }) : () -> ()
    %dma_start3A = arith.constant 0 : i32
    %dma_start3A_22 = arith.constant 0 : i32
    %dma_start3A_23 = arith.constant 0 : i32
    %dma_start3A_24 = tpu.memref_slice %arg10[%dma_start3A, %dma_start3A_23] : memref<4x32xi32, #tpu.memory_space<vmem>> -> memref<1x32xi32, #tpu.memory_space<vmem>>
    %dma_start3A_25 = tpu.memref_squeeze %dma_start3A_24 : memref<1x32xi32, #tpu.memory_space<vmem>> -> memref<32xi32, #tpu.memory_space<vmem>>
    %dma_start3A_26 = arith.constant 0 : i32
    %dma_start3A_27 = arith.constant 0 : i32
    %dma_start3A_28 = tpu.memref_slice %arg2[%dma_start3A_26, %dma_start3A_27] : memref<80000x128xf32, #tpu.memory_space<hbm>> -> memref<80000x128xf32, #tpu.memory_space<hbm>>
    %dma_start3A_29 = tpu.memref_slice %arg21[%dma_start3A_22] : memref<2x!tpu.dma_semaphore, #tpu.memory_space<semaphore_mem>> -> memref<1x!tpu.dma_semaphore, #tpu.memory_space<semaphore_mem>>
    %dma_start3A_30 = tpu.memref_squeeze %dma_start3A_29 : memref<1x!tpu.dma_semaphore, #tpu.memory_space<semaphore_mem>> -> memref<!tpu.dma_semaphore, #tpu.memory_space<semaphore_mem>>
    tpu.enqueue_indirect_dma source(%dma_start3A_28 : memref<80000x128xf32, #tpu.memory_space<hbm>>) target(%arg12 : memref<32x128xf32, #tpu.memory_space<vmem>>) offsets(%dma_start3A_25 : memref<32xi32, #tpu.memory_space<vmem>>) semaphore(%dma_start3A_30 : memref<!tpu.dma_semaphore, #tpu.memory_space<semaphore_mem>>)
    %dma_start3A_31 = arith.constant 1 : i32
    %dma_start3A_32 = arith.constant 0 : i32
    %dma_start3A_33 = arith.constant 0 : i32
    %dma_start3A_34 = tpu.memref_slice %arg10[%dma_start3A_31, %dma_start3A_33] : memref<4x32xi32, #tpu.memory_space<vmem>> -> memref<1x32xi32, #tpu.memory_space<vmem>>
    %dma_start3A_35 = tpu.memref_squeeze %dma_start3A_34 : memref<1x32xi32, #tpu.memory_space<vmem>> -> memref<32xi32, #tpu.memory_space<vmem>>
    %dma_start3A_36 = arith.constant 0 : i32
    %dma_start3A_37 = arith.constant 0 : i32
    %dma_start3A_38 = tpu.memref_slice %arg2[%dma_start3A_36, %dma_start3A_37] : memref<80000x128xf32, #tpu.memory_space<hbm>> -> memref<80000x128xf32, #tpu.memory_space<hbm>>
    %dma_start3A_39 = tpu.memref_slice %arg21[%dma_start3A_32] : memref<2x!tpu.dma_semaphore, #tpu.memory_space<semaphore_mem>> -> memref<1x!tpu.dma_semaphore, #tpu.memory_space<semaphore_mem>>
    %dma_start3A_40 = tpu.memref_squeeze %dma_start3A_39 : memref<1x!tpu.dma_semaphore, #tpu.memory_space<semaphore_mem>> -> memref<!tpu.dma_semaphore, #tpu.memory_space<semaphore_mem>>
    tpu.enqueue_indirect_dma source(%dma_start3A_38 : memref<80000x128xf32, #tpu.memory_space<hbm>>) target(%arg14 : memref<32x128xf32, #tpu.memory_space<vmem>>) offsets(%dma_start3A_35 : memref<32xi32, #tpu.memory_space<vmem>>) semaphore(%dma_start3A_40 : memref<!tpu.dma_semaphore, #tpu.memory_space<semaphore_mem>>)
    %dma_start3A_41 = arith.constant 2 : i32
    %dma_start3A_42 = arith.constant 0 : i32
    %dma_start3A_43 = arith.constant 0 : i32
    %dma_start3A_44 = tpu.memref_slice %arg10[%dma_start3A_41, %dma_start3A_43] : memref<4x32xi32, #tpu.memory_space<vmem>> -> memref<1x32xi32, #tpu.memory_space<vmem>>
    %dma_start3A_45 = tpu.memref_squeeze %dma_start3A_44 : memref<1x32xi32, #tpu.memory_space<vmem>> -> memref<32xi32, #tpu.memory_space<vmem>>
    %dma_start3A_46 = arith.constant 0 : i32
    %dma_start3A_47 = arith.constant 0 : i32
    %dma_start3A_48 = tpu.memref_slice %arg3[%dma_start3A_46, %dma_start3A_47] : memref<10000x128xf32, #tpu.memory_space<hbm>> -> memref<10000x128xf32, #tpu.memory_space<hbm>>
    %dma_start3A_49 = tpu.memref_slice %arg21[%dma_start3A_42] : memref<2x!tpu.dma_semaphore, #tpu.memory_space<semaphore_mem>> -> memref<1x!tpu.dma_semaphore, #tpu.memory_space<semaphore_mem>>
    %dma_start3A_50 = tpu.memref_squeeze %dma_start3A_49 : memref<1x!tpu.dma_semaphore, #tpu.memory_space<semaphore_mem>> -> memref<!tpu.dma_semaphore, #tpu.memory_space<semaphore_mem>>
    tpu.enqueue_indirect_dma source(%dma_start3A_48 : memref<10000x128xf32, #tpu.memory_space<hbm>>) target(%arg16 : memref<32x128xf32, #tpu.memory_space<vmem>>) offsets(%dma_start3A_45 : memref<32xi32, #tpu.memory_space<vmem>>) semaphore(%dma_start3A_50 : memref<!tpu.dma_semaphore, #tpu.memory_space<semaphore_mem>>)
    %scan3A_51 = arith.constant 0 : i32
    %scan3A_52 = arith.constant 0 : i32
    %scan3A_53 = arith.constant 157 : i32
    %scan3A_54 = arith.addi %scan3A_52, %scan3A_53 : i32
    %scan3A_55 = arith.constant 1 : i32
    scf.for %scan3A_66 = %scan3A_52 to %scan3A_54 step %scan3A_55  : i32 {
      %rem3A = arith.constant 2 : i32
      %rem3A_67 = arith.remsi %scan3A_66, %rem3A : i32
      %eq3A_68 = arith.constant 0 : i32
      %eq3A_69 = arith.cmpi eq, %rem3A_67, %eq3A_68 : i32
      %convert_element_type3A = arith.extui %eq3A_69 : i1 to i32
      %cond3A = arith.constant 0 : i32
      %cond3A_70 = arith.cmpi ne, %convert_element_type3A, %cond3A : i32
      scf.if %cond3A_70 {
        %lt3A = arith.constant 156 : i32
        %lt3A_71 = arith.cmpi slt, %scan3A_66, %lt3A : i32
        %convert_element_type3A_72 = arith.extui %lt3A_71 : i1 to i32
        %cond3A_73 = arith.constant 0 : i32
        %cond3A_74 = arith.cmpi ne, %convert_element_type3A_72, %cond3A_73 : i32
        scf.if %cond3A_74 {
          %add3A_111 = arith.constant 1 : i32
          %add3A_112 = arith.addi %scan3A_66, %add3A_111 : i32
          %mul3A_113 = arith.constant 32 : i32
          %mul3A_114 = arith.muli %mul3A_113, %add3A_112 : i32
          %add3A_115 = arith.addi %add3A, %mul3A_114 : i32
          %mul3A_116 = arith.constant 32 : i32
          %mul3A_117 = arith.muli %add3A_115, %mul3A_116 : i32
          %multiple_of3A_118 = tpu.assume_multiple %mul3A_117, 16 : i32
          "tpu.region"() ({
            %run_scoped3A_149 = tpu.sem_alloc : memref<!tpu.dma_semaphore, #tpu.memory_space<semaphore_mem>>
            %dma_start3A_150 = arith.constant 0 : i32
            %dma_start3A_151 = tpu.memref_slice %arg4[%dma_start3A_150, %multiple_of3A_118] : memref<4x160768xi32, #tpu.memory_space<hbm>> -> memref<4x32xi32, #tpu.memory_space<hbm>>
            %dma_start3A_152 = arith.constant 0 : i32
            %dma_start3A_153 = tpu.memref_slice %arg4[%dma_start3A_152, %multiple_of3A_118] : memref<4x160768xi32, #tpu.memory_space<hbm>> -> memref<4x32xi32, #tpu.memory_space<hbm>>
            tpu.enqueue_dma source(%dma_start3A_153 : memref<4x32xi32, #tpu.memory_space<hbm>>) target(%arg11 : memref<4x32xi32, #tpu.memory_space<vmem>>) target_semaphore(%run_scoped3A_149 : memref<!tpu.dma_semaphore, #tpu.memory_space<semaphore_mem>>)
            %dma_wait3A_154 = arith.constant 0 : i32
            %dma_wait3A_155 = tpu.memref_slice %arg4[%dma_wait3A_154, %multiple_of3A_118] : memref<4x160768xi32, #tpu.memory_space<hbm>> -> memref<4x32xi32, #tpu.memory_space<hbm>>
            %dma_wait3A_156 = arith.constant 0 : i32
            %dma_wait3A_157 = tpu.memref_slice %arg4[%dma_wait3A_156, %multiple_of3A_118] : memref<4x160768xi32, #tpu.memory_space<hbm>> -> memref<4x32xi32, #tpu.memory_space<hbm>>
            tpu.wait_dma2 semaphore(%run_scoped3A_149 : memref<!tpu.dma_semaphore, #tpu.memory_space<semaphore_mem>>) src(%dma_wait3A_157 : memref<4x32xi32, #tpu.memory_space<hbm>>) dst(%arg11 : memref<4x32xi32, #tpu.memory_space<vmem>>)
            tpu.yield
          }) : () -> ()
          %dma_start3A_119 = arith.constant 0 : i32
          %dma_start3A_120 = arith.constant 1 : i32
          %dma_start3A_121 = arith.constant 0 : i32
          %dma_start3A_122 = tpu.memref_slice %arg11[%dma_start3A_119, %dma_start3A_121] : memref<4x32xi32, #tpu.memory_space<vmem>> -> memref<1x32xi32, #tpu.memory_space<vmem>>
          %dma_start3A_123 = tpu.memref_squeeze %dma_start3A_122 : memref<1x32xi32, #tpu.memory_space<vmem>> -> memref<32xi32, #tpu.memory_space<vmem>>
          %dma_start3A_124 = arith.constant 0 : i32
          %dma_start3A_125 = arith.constant 0 : i32
          %dma_start3A_126 = tpu.memref_slice %arg2[%dma_start3A_124, %dma_start3A_125] : memref<80000x128xf32, #tpu.memory_space<hbm>> -> memref<80000x128xf32, #tpu.memory_space<hbm>>
          %dma_start3A_127 = tpu.memref_slice %arg21[%dma_start3A_120] : memref<2x!tpu.dma_semaphore, #tpu.memory_space<semaphore_mem>> -> memref<1x!tpu.dma_semaphore, #tpu.memory_space<semaphore_mem>>
          %dma_start3A_128 = tpu.memref_squeeze %dma_start3A_127 : memref<1x!tpu.dma_semaphore, #tpu.memory_space<semaphore_mem>> -> memref<!tpu.dma_semaphore, #tpu.memory_space<semaphore_mem>>
          tpu.enqueue_indirect_dma source(%dma_start3A_126 : memref<80000x128xf32, #tpu.memory_space<hbm>>) target(%arg13 : memref<32x128xf32, #tpu.memory_space<vmem>>) offsets(%dma_start3A_123 : memref<32xi32, #tpu.memory_space<vmem>>) semaphore(%dma_start3A_128 : memref<!tpu.dma_semaphore, #tpu.memory_space<semaphore_mem>>)
          %dma_start3A_129 = arith.constant 1 : i32
          %dma_start3A_130 = arith.constant 1 : i32
          %dma_start3A_131 = arith.constant 0 : i32
          %dma_start3A_132 = tpu.memref_slice %arg11[%dma_start3A_129, %dma_start3A_131] : memref<4x32xi32, #tpu.memory_space<vmem>> -> memref<1x32xi32, #tpu.memory_space<vmem>>
          %dma_start3A_133 = tpu.memref_squeeze %dma_start3A_132 : memref<1x32xi32, #tpu.memory_space<vmem>> -> memref<32xi32, #tpu.memory_space<vmem>>
          %dma_start3A_134 = arith.constant 0 : i32
          %dma_start3A_135 = arith.constant 0 : i32
          %dma_start3A_136 = tpu.memref_slice %arg2[%dma_start3A_134, %dma_start3A_135] : memref<80000x128xf32, #tpu.memory_space<hbm>> -> memref<80000x128xf32, #tpu.memory_space<hbm>>
          %dma_start3A_137 = tpu.memref_slice %arg21[%dma_start3A_130] : memref<2x!tpu.dma_semaphore, #tpu.memory_space<semaphore_mem>> -> memref<1x!tpu.dma_semaphore, #tpu.memory_space<semaphore_mem>>
          %dma_start3A_138 = tpu.memref_squeeze %dma_start3A_137 : memref<1x!tpu.dma_semaphore, #tpu.memory_space<semaphore_mem>> -> memref<!tpu.dma_semaphore, #tpu.memory_space<semaphore_mem>>
          tpu.enqueue_indirect_dma source(%dma_start3A_136 : memref<80000x128xf32, #tpu.memory_space<hbm>>) target(%arg15 : memref<32x128xf32, #tpu.memory_space<vmem>>) offsets(%dma_start3A_133 : memref<32xi32, #tpu.memory_space<vmem>>) semaphore(%dma_start3A_138 : memref<!tpu.dma_semaphore, #tpu.memory_space<semaphore_mem>>)
          %dma_start3A_139 = arith.constant 2 : i32
          %dma_start3A_140 = arith.constant 1 : i32
          %dma_start3A_141 = arith.constant 0 : i32
          %dma_start3A_142 = tpu.memref_slice %arg11[%dma_start3A_139, %dma_start3A_141] : memref<4x32xi32, #tpu.memory_space<vmem>> -> memref<1x32xi32, #tpu.memory_space<vmem>>
          %dma_start3A_143 = tpu.memref_squeeze %dma_start3A_142 : memref<1x32xi32, #tpu.memory_space<vmem>> -> memref<32xi32, #tpu.memory_space<vmem>>
          %dma_start3A_144 = arith.constant 0 : i32
          %dma_start3A_145 = arith.constant 0 : i32
          %dma_start3A_146 = tpu.memref_slice %arg3[%dma_start3A_144, %dma_start3A_145] : memref<10000x128xf32, #tpu.memory_space<hbm>> -> memref<10000x128xf32, #tpu.memory_space<hbm>>
          %dma_start3A_147 = tpu.memref_slice %arg21[%dma_start3A_140] : memref<2x!tpu.dma_semaphore, #tpu.memory_space<semaphore_mem>> -> memref<1x!tpu.dma_semaphore, #tpu.memory_space<semaphore_mem>>
          %dma_start3A_148 = tpu.memref_squeeze %dma_start3A_147 : memref<1x!tpu.dma_semaphore, #tpu.memory_space<semaphore_mem>> -> memref<!tpu.dma_semaphore, #tpu.memory_space<semaphore_mem>>
          tpu.enqueue_indirect_dma source(%dma_start3A_146 : memref<10000x128xf32, #tpu.memory_space<hbm>>) target(%arg17 : memref<32x128xf32, #tpu.memory_space<vmem>>) offsets(%dma_start3A_143 : memref<32xi32, #tpu.memory_space<vmem>>) semaphore(%dma_start3A_148 : memref<!tpu.dma_semaphore, #tpu.memory_space<semaphore_mem>>)
        } else {
        }
        %dma_wait3A = arith.constant 0 : i32
        %dma_wait3A_75 = arith.constant 0 : i32
        %dma_wait3A_76 = arith.constant 0 : i32
        %dma_wait3A_77 = tpu.memref_slice %arg10[%dma_wait3A, %dma_wait3A_76] : memref<4x32xi32, #tpu.memory_space<vmem>> -> memref<1x32xi32, #tpu.memory_space<vmem>>
        %dma_wait3A_78 = tpu.memref_squeeze %dma_wait3A_77 : memref<1x32xi32, #tpu.memory_space<vmem>> -> memref<32xi32, #tpu.memory_space<vmem>>
        %dma_wait3A_79 = arith.constant 0 : i32
        %dma_wait3A_80 = arith.constant 0 : i32
        %dma_wait3A_81 = tpu.memref_slice %arg2[%dma_wait3A_79, %dma_wait3A_80] : memref<80000x128xf32, #tpu.memory_space<hbm>> -> memref<80000x128xf32, #tpu.memory_space<hbm>>
        %dma_wait3A_82 = tpu.memref_slice %arg21[%dma_wait3A_75] : memref<2x!tpu.dma_semaphore, #tpu.memory_space<semaphore_mem>> -> memref<1x!tpu.dma_semaphore, #tpu.memory_space<semaphore_mem>>
        %dma_wait3A_83 = tpu.memref_squeeze %dma_wait3A_82 : memref<1x!tpu.dma_semaphore, #tpu.memory_space<semaphore_mem>> -> memref<!tpu.dma_semaphore, #tpu.memory_space<semaphore_mem>>
        tpu.wait_indirect_dma semaphore(%dma_wait3A_83 : memref<!tpu.dma_semaphore, #tpu.memory_space<semaphore_mem>>) src(%dma_wait3A_81 : memref<80000x128xf32, #tpu.memory_space<hbm>>) dst(%arg12 : memref<32x128xf32, #tpu.memory_space<vmem>>)
        %dma_wait3A_84 = arith.constant 1 : i32
        %dma_wait3A_85 = arith.constant 0 : i32
        %dma_wait3A_86 = arith.constant 0 : i32
        %dma_wait3A_87 = tpu.memref_slice %arg10[%dma_wait3A_84, %dma_wait3A_86] : memref<4x32xi32, #tpu.memory_space<vmem>> -> memref<1x32xi32, #tpu.memory_space<vmem>>
        %dma_wait3A_88 = tpu.memref_squeeze %dma_wait3A_87 : memref<1x32xi32, #tpu.memory_space<vmem>> -> memref<32xi32, #tpu.memory_space<vmem>>
        %dma_wait3A_89 = arith.constant 0 : i32
        %dma_wait3A_90 = arith.constant 0 : i32
        %dma_wait3A_91 = tpu.memref_slice %arg2[%dma_wait3A_89, %dma_wait3A_90] : memref<80000x128xf32, #tpu.memory_space<hbm>> -> memref<80000x128xf32, #tpu.memory_space<hbm>>
        %dma_wait3A_92 = tpu.memref_slice %arg21[%dma_wait3A_85] : memref<2x!tpu.dma_semaphore, #tpu.memory_space<semaphore_mem>> -> memref<1x!tpu.dma_semaphore, #tpu.memory_space<semaphore_mem>>
        %dma_wait3A_93 = tpu.memref_squeeze %dma_wait3A_92 : memref<1x!tpu.dma_semaphore, #tpu.memory_space<semaphore_mem>> -> memref<!tpu.dma_semaphore, #tpu.memory_space<semaphore_mem>>
        tpu.wait_indirect_dma semaphore(%dma_wait3A_93 : memref<!tpu.dma_semaphore, #tpu.memory_space<semaphore_mem>>) src(%dma_wait3A_91 : memref<80000x128xf32, #tpu.memory_space<hbm>>) dst(%arg14 : memref<32x128xf32, #tpu.memory_space<vmem>>)
        %dma_wait3A_94 = arith.constant 2 : i32
        %dma_wait3A_95 = arith.constant 0 : i32
        %dma_wait3A_96 = arith.constant 0 : i32
        %dma_wait3A_97 = tpu.memref_slice %arg10[%dma_wait3A_94, %dma_wait3A_96] : memref<4x32xi32, #tpu.memory_space<vmem>> -> memref<1x32xi32, #tpu.memory_space<vmem>>
        %dma_wait3A_98 = tpu.memref_squeeze %dma_wait3A_97 : memref<1x32xi32, #tpu.memory_space<vmem>> -> memref<32xi32, #tpu.memory_space<vmem>>
        %dma_wait3A_99 = arith.constant 0 : i32
        %dma_wait3A_100 = arith.constant 0 : i32
        %dma_wait3A_101 = tpu.memref_slice %arg3[%dma_wait3A_99, %dma_wait3A_100] : memref<10000x128xf32, #tpu.memory_space<hbm>> -> memref<10000x128xf32, #tpu.memory_space<hbm>>
        %dma_wait3A_102 = tpu.memref_slice %arg21[%dma_wait3A_95] : memref<2x!tpu.dma_semaphore, #tpu.memory_space<semaphore_mem>> -> memref<1x!tpu.dma_semaphore, #tpu.memory_space<semaphore_mem>>
        %dma_wait3A_103 = tpu.memref_squeeze %dma_wait3A_102 : memref<1x!tpu.dma_semaphore, #tpu.memory_space<semaphore_mem>> -> memref<!tpu.dma_semaphore, #tpu.memory_space<semaphore_mem>>
        tpu.wait_indirect_dma semaphore(%dma_wait3A_103 : memref<!tpu.dma_semaphore, #tpu.memory_space<semaphore_mem>>) src(%dma_wait3A_101 : memref<10000x128xf32, #tpu.memory_space<hbm>>) dst(%arg16 : memref<32x128xf32, #tpu.memory_space<vmem>>)
        %scan3A_104 = arith.constant 0 : i32
        %scan3A_105 = arith.constant 0 : i32
        %scan3A_106 = arith.constant 32 : i32
        %scan3A_107 = arith.addi %scan3A_105, %scan3A_106 : i32
        %scan3A_108 = arith.constant 1 : i32
        scf.for %scan3A_111 = %scan3A_105 to %scan3A_107 step %scan3A_108  : i32 {
          %get3A = arith.index_cast %scan3A_111 : i32 to index
          %get3A_112 = arith.constant 0 : index
          %get3A_113 = tpu.vector_load %arg12[%get3A, %get3A_112] {strides = array<i32>} : memref<32x128xf32, #tpu.memory_space<vmem>>, vector<1x16xf32>,
          %get3A_114 = vector.shape_cast %get3A_113 : vector<1x16xf32> to vector<16xf32>
          %get3A_115 = arith.index_cast %scan3A_111 : i32 to index
          %get3A_116 = arith.constant 0 : index
          %get3A_117 = tpu.vector_load %arg14[%get3A_115, %get3A_116] {strides = array<i32>} : memref<32x128xf32, #tpu.memory_space<vmem>>, vector<1x16xf32>,
          %get3A_118 = vector.shape_cast %get3A_117 : vector<1x16xf32> to vector<16xf32>
          %add3A_119 = arith.addf %get3A_114, %get3A_118 : vector<16xf32>
          %neg3A = arith.constant 0.000000e+00 : f32
          %neg3A_120 = vector.broadcast %neg3A : f32 to vector<16xf32>
          %neg3A_121 = arith.subf %neg3A_120, %add3A_119 : vector<16xf32>
          %exp3A = math.exp %neg3A_121 : vector<16xf32>
          %add3A_122 = arith.constant 1.000000e+00 : f32
          %add3A_123 = vector.broadcast %add3A_122 : f32 to vector<16xf32>
          %add3A_124 = arith.addf %add3A_123, %exp3A : vector<16xf32>
          %div3A = arith.constant 1.000000e+00 : f32
          %div3A_125 = vector.broadcast %div3A : f32 to vector<16xf32>
          %div3A_126 = arith.divf %div3A_125, %add3A_124 : vector<16xf32>
          %get3A_127 = arith.index_cast %scan3A_111 : i32 to index
          %get3A_128 = arith.constant 0 : index
          %get3A_129 = tpu.vector_load %arg16[%get3A_127, %get3A_128] {strides = array<i32>} : memref<32x128xf32, #tpu.memory_space<vmem>>, vector<1x16xf32>,
          %get3A_130 = vector.shape_cast %get3A_129 : vector<1x16xf32> to vector<16xf32>
          %mul3A_131 = arith.mulf %get3A_130, %div3A_126 : vector<16xf32>
          %swap3A = arith.index_cast %scan3A_111 : i32 to index
          %swap3A_132 = arith.constant 0 : index
          %swap3A_133 = tpu.vector_load %arg18[%swap3A, %swap3A_132] {strides = array<i32>} : memref<32x128xf32, #tpu.memory_space<vmem>>, vector<1x16xf32>,
          %swap3A_134 = vector.shape_cast %swap3A_133 : vector<1x16xf32> to vector<16xf32>
          %swap3A_135 = vector.shape_cast %mul3A_131 : vector<16xf32> to vector<1x16xf32>
          tpu.vector_store %arg18[%swap3A, %swap3A_132], %swap3A_135 {strides = array<i32>} : memref<32x128xf32, #tpu.memory_space<vmem>>, vector<1x16xf32>,
          %get3A_136 = arith.index_cast %scan3A_111 : i32 to index
          %get3A_137 = arith.constant 16 : index
          %get3A_138 = tpu.vector_load %arg12[%get3A_136, %get3A_137] {strides = array<i32>} : memref<32x128xf32, #tpu.memory_space<vmem>>, vector<1x16xf32>,
          %get3A_139 = vector.shape_cast %get3A_138 : vector<1x16xf32> to vector<16xf32>
          %get3A_140 = arith.index_cast %scan3A_111 : i32 to index
          %get3A_141 = arith.constant 16 : index
          %get3A_142 = tpu.vector_load %arg14[%get3A_140, %get3A_141] {strides = array<i32>} : memref<32x128xf32, #tpu.memory_space<vmem>>, vector<1x16xf32>,
          %get3A_143 = vector.shape_cast %get3A_142 : vector<1x16xf32> to vector<16xf32>
          %add3A_144 = arith.addf %get3A_139, %get3A_143 : vector<16xf32>
          %neg3A_145 = arith.constant 0.000000e+00 : f32
          %neg3A_146 = vector.broadcast %neg3A_145 : f32 to vector<16xf32>
          %neg3A_147 = arith.subf %neg3A_146, %add3A_144 : vector<16xf32>
          %exp3A_148 = math.exp %neg3A_147 : vector<16xf32>
          %add3A_149 = arith.constant 1.000000e+00 : f32
          %add3A_150 = vector.broadcast %add3A_149 : f32 to vector<16xf32>
          %add3A_151 = arith.addf %add3A_150, %exp3A_148 : vector<16xf32>
          %div3A_152 = arith.constant 1.000000e+00 : f32
          %div3A_153 = vector.broadcast %div3A_152 : f32 to vector<16xf32>
          %div3A_154 = arith.divf %div3A_153, %add3A_151 : vector<16xf32>
          %get3A_155 = arith.index_cast %scan3A_111 : i32 to index
          %get3A_156 = arith.constant 16 : index
          %get3A_157 = tpu.vector_load %arg16[%get3A_155, %get3A_156] {strides = array<i32>} : memref<32x128xf32, #tpu.memory_space<vmem>>, vector<1x16xf32>,
          %get3A_158 = vector.shape_cast %get3A_157 : vector<1x16xf32> to vector<16xf32>
          %mul3A_159 = arith.mulf %get3A_158, %div3A_154 : vector<16xf32>
          %swap3A_160 = arith.index_cast %scan3A_111 : i32 to index
          %swap3A_161 = arith.constant 16 : index
          %swap3A_162 = tpu.vector_load %arg18[%swap3A_160, %swap3A_161] {strides = array<i32>} : memref<32x128xf32, #tpu.memory_space<vmem>>, vector<1x16xf32>,
          %swap3A_163 = vector.shape_cast %swap3A_162 : vector<1x16xf32> to vector<16xf32>
          %swap3A_164 = vector.shape_cast %mul3A_159 : vector<16xf32> to vector<1x16xf32>
          tpu.vector_store %arg18[%swap3A_160, %swap3A_161], %swap3A_164 {strides = array<i32>} : memref<32x128xf32, #tpu.memory_space<vmem>>, vector<1x16xf32>,
          %get3A_165 = arith.index_cast %scan3A_111 : i32 to index
          %get3A_166 = arith.constant 32 : index
          %get3A_167 = tpu.vector_load %arg12[%get3A_165, %get3A_166] {strides = array<i32>} : memref<32x128xf32, #tpu.memory_space<vmem>>, vector<1x16xf32>,
          %get3A_168 = vector.shape_cast %get3A_167 : vector<1x16xf32> to vector<16xf32>
          %get3A_169 = arith.index_cast %scan3A_111 : i32 to index
          %get3A_170 = arith.constant 32 : index
          %get3A_171 = tpu.vector_load %arg14[%get3A_169, %get3A_170] {strides = array<i32>} : memref<32x128xf32, #tpu.memory_space<vmem>>, vector<1x16xf32>,
          %get3A_172 = vector.shape_cast %get3A_171 : vector<1x16xf32> to vector<16xf32>
          %add3A_173 = arith.addf %get3A_168, %get3A_172 : vector<16xf32>
          %neg3A_174 = arith.constant 0.000000e+00 : f32
          %neg3A_175 = vector.broadcast %neg3A_174 : f32 to vector<16xf32>
          %neg3A_176 = arith.subf %neg3A_175, %add3A_173 : vector<16xf32>
          %exp3A_177 = math.exp %neg3A_176 : vector<16xf32>
          %add3A_178 = arith.constant 1.000000e+00 : f32
          %add3A_179 = vector.broadcast %add3A_178 : f32 to vector<16xf32>
          %add3A_180 = arith.addf %add3A_179, %exp3A_177 : vector<16xf32>
          %div3A_181 = arith.constant 1.000000e+00 : f32
          %div3A_182 = vector.broadcast %div3A_181 : f32 to vector<16xf32>
          %div3A_183 = arith.divf %div3A_182, %add3A_180 : vector<16xf32>
          %get3A_184 = arith.index_cast %scan3A_111 : i32 to index
          %get3A_185 = arith.constant 32 : index
          %get3A_186 = tpu.vector_load %arg16[%get3A_184, %get3A_185] {strides = array<i32>} : memref<32x128xf32, #tpu.memory_space<vmem>>, vector<1x16xf32>,
          %get3A_187 = vector.shape_cast %get3A_186 : vector<1x16xf32> to vector<16xf32>
          %mul3A_188 = arith.mulf %get3A_187, %div3A_183 : vector<16xf32>
          %swap3A_189 = arith.index_cast %scan3A_111 : i32 to index
          %swap3A_190 = arith.constant 32 : index
          %swap3A_191 = tpu.vector_load %arg18[%swap3A_189, %swap3A_190] {strides = array<i32>} : memref<32x128xf32, #tpu.memory_space<vmem>>, vector<1x16xf32>,
          %swap3A_192 = vector.shape_cast %swap3A_191 : vector<1x16xf32> to vector<16xf32>
          %swap3A_193 = vector.shape_cast %mul3A_188 : vector<16xf32> to vector<1x16xf32>
          tpu.vector_store %arg18[%swap3A_189, %swap3A_190], %swap3A_193 {strides = array<i32>} : memref<32x128xf32, #tpu.memory_space<vmem>>, vector<1x16xf32>,
          %get3A_194 = arith.index_cast %scan3A_111 : i32 to index
          %get3A_195 = arith.constant 48 : index
          %get3A_196 = tpu.vector_load %arg12[%get3A_194, %get3A_195] {strides = array<i32>} : memref<32x128xf32, #tpu.memory_space<vmem>>, vector<1x16xf32>,
          %get3A_197 = vector.shape_cast %get3A_196 : vector<1x16xf32> to vector<16xf32>
          %get3A_198 = arith.index_cast %scan3A_111 : i32 to index
          %get3A_199 = arith.constant 48 : index
          %get3A_200 = tpu.vector_load %arg14[%get3A_198, %get3A_199] {strides = array<i32>} : memref<32x128xf32, #tpu.memory_space<vmem>>, vector<1x16xf32>,
          %get3A_201 = vector.shape_cast %get3A_200 : vector<1x16xf32> to vector<16xf32>
          %add3A_202 = arith.addf %get3A_197, %get3A_201 : vector<16xf32>
          %neg3A_203 = arith.constant 0.000000e+00 : f32
          %neg3A_204 = vector.broadcast %neg3A_203 : f32 to vector<16xf32>
          %neg3A_205 = arith.subf %neg3A_204, %add3A_202 : vector<16xf32>
          %exp3A_206 = math.exp %neg3A_205 : vector<16xf32>
          %add3A_207 = arith.constant 1.000000e+00 : f32
          %add3A_208 = vector.broadcast %add3A_207 : f32 to vector<16xf32>
          %add3A_209 = arith.addf %add3A_208, %exp3A_206 : vector<16xf32>
          %div3A_210 = arith.constant 1.000000e+00 : f32
          %div3A_211 = vector.broadcast %div3A_210 : f32 to vector<16xf32>
          %div3A_212 = arith.divf %div3A_211, %add3A_209 : vector<16xf32>
          %get3A_213 = arith.index_cast %scan3A_111 : i32 to index
          %get3A_214 = arith.constant 48 : index
          %get3A_215 = tpu.vector_load %arg16[%get3A_213, %get3A_214] {strides = array<i32>} : memref<32x128xf32, #tpu.memory_space<vmem>>, vector<1x16xf32>,
          %get3A_216 = vector.shape_cast %get3A_215 : vector<1x16xf32> to vector<16xf32>
          %mul3A_217 = arith.mulf %get3A_216, %div3A_212 : vector<16xf32>
          %swap3A_218 = arith.index_cast %scan3A_111 : i32 to index
          %swap3A_219 = arith.constant 48 : index
          %swap3A_220 = tpu.vector_load %arg18[%swap3A_218, %swap3A_219] {strides = array<i32>} : memref<32x128xf32, #tpu.memory_space<vmem>>, vector<1x16xf32>,
          %swap3A_221 = vector.shape_cast %swap3A_220 : vector<1x16xf32> to vector<16xf32>
          %swap3A_222 = vector.shape_cast %mul3A_217 : vector<16xf32> to vector<1x16xf32>
          tpu.vector_store %arg18[%swap3A_218, %swap3A_219], %swap3A_222 {strides = array<i32>} : memref<32x128xf32, #tpu.memory_space<vmem>>, vector<1x16xf32>,
          %get3A_223 = arith.index_cast %scan3A_111 : i32 to index
          %get3A_224 = arith.constant 64 : index
          %get3A_225 = tpu.vector_load %arg12[%get3A_223, %get3A_224] {strides = array<i32>} : memref<32x128xf32, #tpu.memory_space<vmem>>, vector<1x16xf32>,
          %get3A_226 = vector.shape_cast %get3A_225 : vector<1x16xf32> to vector<16xf32>
          %get3A_227 = arith.index_cast %scan3A_111 : i32 to index
          %get3A_228 = arith.constant 64 : index
          %get3A_229 = tpu.vector_load %arg14[%get3A_227, %get3A_228] {strides = array<i32>} : memref<32x128xf32, #tpu.memory_space<vmem>>, vector<1x16xf32>,
          %get3A_230 = vector.shape_cast %get3A_229 : vector<1x16xf32> to vector<16xf32>
          %add3A_231 = arith.addf %get3A_226, %get3A_230 : vector<16xf32>
          %neg3A_232 = arith.constant 0.000000e+00 : f32
          %neg3A_233 = vector.broadcast %neg3A_232 : f32 to vector<16xf32>
          %neg3A_234 = arith.subf %neg3A_233, %add3A_231 : vector<16xf32>
          %exp3A_235 = math.exp %neg3A_234 : vector<16xf32>
          %add3A_236 = arith.constant 1.000000e+00 : f32
          %add3A_237 = vector.broadcast %add3A_236 : f32 to vector<16xf32>
          %add3A_238 = arith.addf %add3A_237, %exp3A_235 : vector<16xf32>
          %div3A_239 = arith.constant 1.000000e+00 : f32
          %div3A_240 = vector.broadcast %div3A_239 : f32 to vector<16xf32>
          %div3A_241 = arith.divf %div3A_240, %add3A_238 : vector<16xf32>
          %get3A_242 = arith.index_cast %scan3A_111 : i32 to index
          %get3A_243 = arith.constant 64 : index
          %get3A_244 = tpu.vector_load %arg16[%get3A_242, %get3A_243] {strides = array<i32>} : memref<32x128xf32, #tpu.memory_space<vmem>>, vector<1x16xf32>,
          %get3A_245 = vector.shape_cast %get3A_244 : vector<1x16xf32> to vector<16xf32>
          %mul3A_246 = arith.mulf %get3A_245, %div3A_241 : vector<16xf32>
          %swap3A_247 = arith.index_cast %scan3A_111 : i32 to index
          %swap3A_248 = arith.constant 64 : index
          %swap3A_249 = tpu.vector_load %arg18[%swap3A_247, %swap3A_248] {strides = array<i32>} : memref<32x128xf32, #tpu.memory_space<vmem>>, vector<1x16xf32>,
          %swap3A_250 = vector.shape_cast %swap3A_249 : vector<1x16xf32> to vector<16xf32>
          %swap3A_251 = vector.shape_cast %mul3A_246 : vector<16xf32> to vector<1x16xf32>
          tpu.vector_store %arg18[%swap3A_247, %swap3A_248], %swap3A_251 {strides = array<i32>} : memref<32x128xf32, #tpu.memory_space<vmem>>, vector<1x16xf32>,
          %get3A_252 = arith.index_cast %scan3A_111 : i32 to index
          %get3A_253 = arith.constant 80 : index
          %get3A_254 = tpu.vector_load %arg12[%get3A_252, %get3A_253] {strides = array<i32>} : memref<32x128xf32, #tpu.memory_space<vmem>>, vector<1x16xf32>,
          %get3A_255 = vector.shape_cast %get3A_254 : vector<1x16xf32> to vector<16xf32>
          %get3A_256 = arith.index_cast %scan3A_111 : i32 to index
          %get3A_257 = arith.constant 80 : index
          %get3A_258 = tpu.vector_load %arg14[%get3A_256, %get3A_257] {strides = array<i32>} : memref<32x128xf32, #tpu.memory_space<vmem>>, vector<1x16xf32>,
          %get3A_259 = vector.shape_cast %get3A_258 : vector<1x16xf32> to vector<16xf32>
          %add3A_260 = arith.addf %get3A_255, %get3A_259 : vector<16xf32>
          %neg3A_261 = arith.constant 0.000000e+00 : f32
          %neg3A_262 = vector.broadcast %neg3A_261 : f32 to vector<16xf32>
          %neg3A_263 = arith.subf %neg3A_262, %add3A_260 : vector<16xf32>
          %exp3A_264 = math.exp %neg3A_263 : vector<16xf32>
          %add3A_265 = arith.constant 1.000000e+00 : f32
          %add3A_266 = vector.broadcast %add3A_265 : f32 to vector<16xf32>
          %add3A_267 = arith.addf %add3A_266, %exp3A_264 : vector<16xf32>
          %div3A_268 = arith.constant 1.000000e+00 : f32
          %div3A_269 = vector.broadcast %div3A_268 : f32 to vector<16xf32>
          %div3A_270 = arith.divf %div3A_269, %add3A_267 : vector<16xf32>
          %get3A_271 = arith.index_cast %scan3A_111 : i32 to index
          %get3A_272 = arith.constant 80 : index
          %get3A_273 = tpu.vector_load %arg16[%get3A_271, %get3A_272] {strides = array<i32>} : memref<32x128xf32, #tpu.memory_space<vmem>>, vector<1x16xf32>,
          %get3A_274 = vector.shape_cast %get3A_273 : vector<1x16xf32> to vector<16xf32>
          %mul3A_275 = arith.mulf %get3A_274, %div3A_270 : vector<16xf32>
          %swap3A_276 = arith.index_cast %scan3A_111 : i32 to index
          %swap3A_277 = arith.constant 80 : index
          %swap3A_278 = tpu.vector_load %arg18[%swap3A_276, %swap3A_277] {strides = array<i32>} : memref<32x128xf32, #tpu.memory_space<vmem>>, vector<1x16xf32>,
          %swap3A_279 = vector.shape_cast %swap3A_278 : vector<1x16xf32> to vector<16xf32>
          %swap3A_280 = vector.shape_cast %mul3A_275 : vector<16xf32> to vector<1x16xf32>
          tpu.vector_store %arg18[%swap3A_276, %swap3A_277], %swap3A_280 {strides = array<i32>} : memref<32x128xf32, #tpu.memory_space<vmem>>, vector<1x16xf32>,
          %get3A_281 = arith.index_cast %scan3A_111 : i32 to index
          %get3A_282 = arith.constant 96 : index
          %get3A_283 = tpu.vector_load %arg12[%get3A_281, %get3A_282] {strides = array<i32>} : memref<32x128xf32, #tpu.memory_space<vmem>>, vector<1x16xf32>,
          %get3A_284 = vector.shape_cast %get3A_283 : vector<1x16xf32> to vector<16xf32>
          %get3A_285 = arith.index_cast %scan3A_111 : i32 to index
          %get3A_286 = arith.constant 96 : index
          %get3A_287 = tpu.vector_load %arg14[%get3A_285, %get3A_286] {strides = array<i32>} : memref<32x128xf32, #tpu.memory_space<vmem>>, vector<1x16xf32>,
          %get3A_288 = vector.shape_cast %get3A_287 : vector<1x16xf32> to vector<16xf32>
          %add3A_289 = arith.addf %get3A_284, %get3A_288 : vector<16xf32>
          %neg3A_290 = arith.constant 0.000000e+00 : f32
          %neg3A_291 = vector.broadcast %neg3A_290 : f32 to vector<16xf32>
          %neg3A_292 = arith.subf %neg3A_291, %add3A_289 : vector<16xf32>
          %exp3A_293 = math.exp %neg3A_292 : vector<16xf32>
          %add3A_294 = arith.constant 1.000000e+00 : f32
          %add3A_295 = vector.broadcast %add3A_294 : f32 to vector<16xf32>
          %add3A_296 = arith.addf %add3A_295, %exp3A_293 : vector<16xf32>
          %div3A_297 = arith.constant 1.000000e+00 : f32
          %div3A_298 = vector.broadcast %div3A_297 : f32 to vector<16xf32>
          %div3A_299 = arith.divf %div3A_298, %add3A_296 : vector<16xf32>
          %get3A_300 = arith.index_cast %scan3A_111 : i32 to index
          %get3A_301 = arith.constant 96 : index
          %get3A_302 = tpu.vector_load %arg16[%get3A_300, %get3A_301] {strides = array<i32>} : memref<32x128xf32, #tpu.memory_space<vmem>>, vector<1x16xf32>,
          %get3A_303 = vector.shape_cast %get3A_302 : vector<1x16xf32> to vector<16xf32>
          %mul3A_304 = arith.mulf %get3A_303, %div3A_299 : vector<16xf32>
          %swap3A_305 = arith.index_cast %scan3A_111 : i32 to index
          %swap3A_306 = arith.constant 96 : index
          %swap3A_307 = tpu.vector_load %arg18[%swap3A_305, %swap3A_306] {strides = array<i32>} : memref<32x128xf32, #tpu.memory_space<vmem>>, vector<1x16xf32>,
          %swap3A_308 = vector.shape_cast %swap3A_307 : vector<1x16xf32> to vector<16xf32>
          %swap3A_309 = vector.shape_cast %mul3A_304 : vector<16xf32> to vector<1x16xf32>
          tpu.vector_store %arg18[%swap3A_305, %swap3A_306], %swap3A_309 {strides = array<i32>} : memref<32x128xf32, #tpu.memory_space<vmem>>, vector<1x16xf32>,
          %get3A_310 = arith.index_cast %scan3A_111 : i32 to index
          %get3A_311 = arith.constant 112 : index
          %get3A_312 = tpu.vector_load %arg12[%get3A_310, %get3A_311] {strides = array<i32>} : memref<32x128xf32, #tpu.memory_space<vmem>>, vector<1x16xf32>,
          %get3A_313 = vector.shape_cast %get3A_312 : vector<1x16xf32> to vector<16xf32>
          %get3A_314 = arith.index_cast %scan3A_111 : i32 to index
          %get3A_315 = arith.constant 112 : index
          %get3A_316 = tpu.vector_load %arg14[%get3A_314, %get3A_315] {strides = array<i32>} : memref<32x128xf32, #tpu.memory_space<vmem>>, vector<1x16xf32>,
          %get3A_317 = vector.shape_cast %get3A_316 : vector<1x16xf32> to vector<16xf32>
          %add3A_318 = arith.addf %get3A_313, %get3A_317 : vector<16xf32>
          %neg3A_319 = arith.constant 0.000000e+00 : f32
          %neg3A_320 = vector.broadcast %neg3A_319 : f32 to vector<16xf32>
          %neg3A_321 = arith.subf %neg3A_320, %add3A_318 : vector<16xf32>
          %exp3A_322 = math.exp %neg3A_321 : vector<16xf32>
          %add3A_323 = arith.constant 1.000000e+00 : f32
          %add3A_324 = vector.broadcast %add3A_323 : f32 to vector<16xf32>
          %add3A_325 = arith.addf %add3A_324, %exp3A_322 : vector<16xf32>
          %div3A_326 = arith.constant 1.000000e+00 : f32
          %div3A_327 = vector.broadcast %div3A_326 : f32 to vector<16xf32>
          %div3A_328 = arith.divf %div3A_327, %add3A_325 : vector<16xf32>
          %get3A_329 = arith.index_cast %scan3A_111 : i32 to index
          %get3A_330 = arith.constant 112 : index
          %get3A_331 = tpu.vector_load %arg16[%get3A_329, %get3A_330] {strides = array<i32>} : memref<32x128xf32, #tpu.memory_space<vmem>>, vector<1x16xf32>,
          %get3A_332 = vector.shape_cast %get3A_331 : vector<1x16xf32> to vector<16xf32>
          %mul3A_333 = arith.mulf %get3A_332, %div3A_328 : vector<16xf32>
          %swap3A_334 = arith.index_cast %scan3A_111 : i32 to index
          %swap3A_335 = arith.constant 112 : index
          %swap3A_336 = tpu.vector_load %arg18[%swap3A_334, %swap3A_335] {strides = array<i32>} : memref<32x128xf32, #tpu.memory_space<vmem>>, vector<1x16xf32>,
          %swap3A_337 = vector.shape_cast %swap3A_336 : vector<1x16xf32> to vector<16xf32>
          %swap3A_338 = vector.shape_cast %mul3A_333 : vector<16xf32> to vector<1x16xf32>
          tpu.vector_store %arg18[%swap3A_334, %swap3A_335], %swap3A_338 {strides = array<i32>} : memref<32x128xf32, #tpu.memory_space<vmem>>, vector<1x16xf32>,
        }
        %scan3A_109 = arith.constant 32 : i32
        %run_scoped3A = arith.constant 3 : i32
        "tpu.region"() ({
          %run_scoped3A_111 = tpu.sem_alloc : memref<!tpu.dma_semaphore, #tpu.memory_space<semaphore_mem>>
          %dma_start3A_112 = arith.constant 0 : i32
          %dma_start3A_113 = tpu.memref_slice %arg10[%run_scoped3A, %dma_start3A_112] : memref<4x32xi32, #tpu.memory_space<vmem>> -> memref<1x32xi32, #tpu.memory_space<vmem>>
          %dma_start3A_114 = tpu.memref_squeeze %dma_start3A_113 : memref<1x32xi32, #tpu.memory_space<vmem>> -> memref<32xi32, #tpu.memory_space<vmem>>
          %dma_start3A_115 = arith.constant 0 : i32
          %dma_start3A_116 = arith.constant 0 : i32
          %dma_start3A_117 = tpu.memref_slice %arg8[%dma_start3A_115, %dma_start3A_116] : memref<10016x128xf32, #tpu.memory_space<vmem_shared>> -> memref<10016x128xf32, #tpu.memory_space<vmem_shared>>
          tpu.enqueue_indirect_dma source(%arg18 : memref<32x128xf32, #tpu.memory_space<vmem>>) target(%dma_start3A_117 : memref<10016x128xf32, #tpu.memory_space<vmem_shared>>) offsets(%dma_start3A_114 : memref<32xi32, #tpu.memory_space<vmem>>) semaphore(%run_scoped3A_111 : memref<!tpu.dma_semaphore, #tpu.memory_space<semaphore_mem>>) {add = true}
          %dma_wait3A_118 = arith.constant 0 : i32
          %dma_wait3A_119 = tpu.memref_slice %arg10[%run_scoped3A, %dma_wait3A_118] : memref<4x32xi32, #tpu.memory_space<vmem>> -> memref<1x32xi32, #tpu.memory_space<vmem>>
          %dma_wait3A_120 = tpu.memref_squeeze %dma_wait3A_119 : memref<1x32xi32, #tpu.memory_space<vmem>> -> memref<32xi32, #tpu.memory_space<vmem>>
          %dma_wait3A_121 = arith.constant 0 : i32
          %dma_wait3A_122 = arith.constant 0 : i32
          %dma_wait3A_123 = tpu.memref_slice %arg8[%dma_wait3A_121, %dma_wait3A_122] : memref<10016x128xf32, #tpu.memory_space<vmem_shared>> -> memref<10016x128xf32, #tpu.memory_space<vmem_shared>>
          tpu.wait_indirect_dma semaphore(%run_scoped3A_111 : memref<!tpu.dma_semaphore, #tpu.memory_space<semaphore_mem>>) src(%arg18 : memref<32x128xf32, #tpu.memory_space<vmem>>) dst(%dma_wait3A_123 : memref<10016x128xf32, #tpu.memory_space<vmem_shared>>)
          tpu.yield
        }) : () -> ()
        %run_scoped3A_110 = arith.constant 3 : i32
        "tpu.region"() ({
          %run_scoped3A_111 = tpu.sem_alloc : memref<!tpu.dma_semaphore, #tpu.memory_space<semaphore_mem>>
          %dma_start3A_112 = arith.constant 0 : i32
          %dma_start3A_113 = tpu.memref_slice %arg10[%run_scoped3A_110, %dma_start3A_112] : memref<4x32xi32, #tpu.memory_space<vmem>> -> memref<1x32xi32, #tpu.memory_space<vmem>>
          %dma_start3A_114 = tpu.memref_squeeze %dma_start3A_113 : memref<1x32xi32, #tpu.memory_space<vmem>> -> memref<32xi32, #tpu.memory_space<vmem>>
          %dma_start3A_115 = arith.constant 0 : i32
          %dma_start3A_116 = arith.constant 0 : i32
          %dma_start3A_117 = tpu.memref_slice %arg9[%dma_start3A_115, %dma_start3A_116] : memref<10016x16xf32, #tpu.memory_space<vmem_shared>> -> memref<10016x16xf32, #tpu.memory_space<vmem_shared>>
          tpu.enqueue_indirect_dma source(%arg20 : memref<32x16xf32, #tpu.memory_space<vmem>>) target(%dma_start3A_117 : memref<10016x16xf32, #tpu.memory_space<vmem_shared>>) offsets(%dma_start3A_114 : memref<32xi32, #tpu.memory_space<vmem>>) semaphore(%run_scoped3A_111 : memref<!tpu.dma_semaphore, #tpu.memory_space<semaphore_mem>>) {add = true}
          %dma_wait3A_118 = arith.constant 0 : i32
          %dma_wait3A_119 = tpu.memref_slice %arg10[%run_scoped3A_110, %dma_wait3A_118] : memref<4x32xi32, #tpu.memory_space<vmem>> -> memref<1x32xi32, #tpu.memory_space<vmem>>
          %dma_wait3A_120 = tpu.memref_squeeze %dma_wait3A_119 : memref<1x32xi32, #tpu.memory_space<vmem>> -> memref<32xi32, #tpu.memory_space<vmem>>
          %dma_wait3A_121 = arith.constant 0 : i32
          %dma_wait3A_122 = arith.constant 0 : i32
          %dma_wait3A_123 = tpu.memref_slice %arg9[%dma_wait3A_121, %dma_wait3A_122] : memref<10016x16xf32, #tpu.memory_space<vmem_shared>> -> memref<10016x16xf32, #tpu.memory_space<vmem_shared>>
          tpu.wait_indirect_dma semaphore(%run_scoped3A_111 : memref<!tpu.dma_semaphore, #tpu.memory_space<semaphore_mem>>) src(%arg20 : memref<32x16xf32, #tpu.memory_space<vmem>>) dst(%dma_wait3A_123 : memref<10016x16xf32, #tpu.memory_space<vmem_shared>>)
          tpu.yield
        }) : () -> ()
      } else {
        %lt3A = arith.constant 156 : i32
        %lt3A_71 = arith.cmpi slt, %scan3A_66, %lt3A : i32
        %convert_element_type3A_72 = arith.extui %lt3A_71 : i1 to i32
        %cond3A_73 = arith.constant 0 : i32
        %cond3A_74 = arith.cmpi ne, %convert_element_type3A_72, %cond3A_73 : i32
        scf.if %cond3A_74 {
          %add3A_111 = arith.constant 1 : i32
          %add3A_112 = arith.addi %scan3A_66, %add3A_111 : i32
          %mul3A_113 = arith.constant 32 : i32
          %mul3A_114 = arith.muli %mul3A_113, %add3A_112 : i32
          %add3A_115 = arith.addi %add3A, %mul3A_114 : i32
          %mul3A_116 = arith.constant 32 : i32
          %mul3A_117 = arith.muli %add3A_115, %mul3A_116 : i32
          %multiple_of3A_118 = tpu.assume_multiple %mul3A_117, 16 : i32
          "tpu.region"() ({
            %run_scoped3A_149 = tpu.sem_alloc : memref<!tpu.dma_semaphore, #tpu.memory_space<semaphore_mem>>
            %dma_start3A_150 = arith.constant 0 : i32
            %dma_start3A_151 = tpu.memref_slice %arg4[%dma_start3A_150, %multiple_of3A_118] : memref<4x160768xi32, #tpu.memory_space<hbm>> -> memref<4x32xi32, #tpu.memory_space<hbm>>
            %dma_start3A_152 = arith.constant 0 : i32
            %dma_start3A_153 = tpu.memref_slice %arg4[%dma_start3A_152, %multiple_of3A_118] : memref<4x160768xi32, #tpu.memory_space<hbm>> -> memref<4x32xi32, #tpu.memory_space<hbm>>
            tpu.enqueue_dma source(%dma_start3A_153 : memref<4x32xi32, #tpu.memory_space<hbm>>) target(%arg10 : memref<4x32xi32, #tpu.memory_space<vmem>>) target_semaphore(%run_scoped3A_149 : memref<!tpu.dma_semaphore, #tpu.memory_space<semaphore_mem>>)
            %dma_wait3A_154 = arith.constant 0 : i32
            %dma_wait3A_155 = tpu.memref_slice %arg4[%dma_wait3A_154, %multiple_of3A_118] : memref<4x160768xi32, #tpu.memory_space<hbm>> -> memref<4x32xi32, #tpu.memory_space<hbm>>
            %dma_wait3A_156 = arith.constant 0 : i32
            %dma_wait3A_157 = tpu.memref_slice %arg4[%dma_wait3A_156, %multiple_of3A_118] : memref<4x160768xi32, #tpu.memory_space<hbm>> -> memref<4x32xi32, #tpu.memory_space<hbm>>
            tpu.wait_dma2 semaphore(%run_scoped3A_149 : memref<!tpu.dma_semaphore, #tpu.memory_space<semaphore_mem>>) src(%dma_wait3A_157 : memref<4x32xi32, #tpu.memory_space<hbm>>) dst(%arg10 : memref<4x32xi32, #tpu.memory_space<vmem>>)
            tpu.yield
          }) : () -> ()
          %dma_start3A_119 = arith.constant 0 : i32
          %dma_start3A_120 = arith.constant 0 : i32
          %dma_start3A_121 = arith.constant 0 : i32
          %dma_start3A_122 = tpu.memref_slice %arg10[%dma_start3A_119, %dma_start3A_121] : memref<4x32xi32, #tpu.memory_space<vmem>> -> memref<1x32xi32, #tpu.memory_space<vmem>>
          %dma_start3A_123 = tpu.memref_squeeze %dma_start3A_122 : memref<1x32xi32, #tpu.memory_space<vmem>> -> memref<32xi32, #tpu.memory_space<vmem>>
          %dma_start3A_124 = arith.constant 0 : i32
          %dma_start3A_125 = arith.constant 0 : i32
          %dma_start3A_126 = tpu.memref_slice %arg2[%dma_start3A_124, %dma_start3A_125] : memref<80000x128xf32, #tpu.memory_space<hbm>> -> memref<80000x128xf32, #tpu.memory_space<hbm>>
          %dma_start3A_127 = tpu.memref_slice %arg21[%dma_start3A_120] : memref<2x!tpu.dma_semaphore, #tpu.memory_space<semaphore_mem>> -> memref<1x!tpu.dma_semaphore, #tpu.memory_space<semaphore_mem>>
          %dma_start3A_128 = tpu.memref_squeeze %dma_start3A_127 : memref<1x!tpu.dma_semaphore, #tpu.memory_space<semaphore_mem>> -> memref<!tpu.dma_semaphore, #tpu.memory_space<semaphore_mem>>
          tpu.enqueue_indirect_dma source(%dma_start3A_126 : memref<80000x128xf32, #tpu.memory_space<hbm>>) target(%arg12 : memref<32x128xf32, #tpu.memory_space<vmem>>) offsets(%dma_start3A_123 : memref<32xi32, #tpu.memory_space<vmem>>) semaphore(%dma_start3A_128 : memref<!tpu.dma_semaphore, #tpu.memory_space<semaphore_mem>>)
          %dma_start3A_129 = arith.constant 1 : i32
          %dma_start3A_130 = arith.constant 0 : i32
          %dma_start3A_131 = arith.constant 0 : i32
          %dma_start3A_132 = tpu.memref_slice %arg10[%dma_start3A_129, %dma_start3A_131] : memref<4x32xi32, #tpu.memory_space<vmem>> -> memref<1x32xi32, #tpu.memory_space<vmem>>
          %dma_start3A_133 = tpu.memref_squeeze %dma_start3A_132 : memref<1x32xi32, #tpu.memory_space<vmem>> -> memref<32xi32, #tpu.memory_space<vmem>>
          %dma_start3A_134 = arith.constant 0 : i32
          %dma_start3A_135 = arith.constant 0 : i32
          %dma_start3A_136 = tpu.memref_slice %arg2[%dma_start3A_134, %dma_start3A_135] : memref<80000x128xf32, #tpu.memory_space<hbm>> -> memref<80000x128xf32, #tpu.memory_space<hbm>>
          %dma_start3A_137 = tpu.memref_slice %arg21[%dma_start3A_130] : memref<2x!tpu.dma_semaphore, #tpu.memory_space<semaphore_mem>> -> memref<1x!tpu.dma_semaphore, #tpu.memory_space<semaphore_mem>>
          %dma_start3A_138 = tpu.memref_squeeze %dma_start3A_137 : memref<1x!tpu.dma_semaphore, #tpu.memory_space<semaphore_mem>> -> memref<!tpu.dma_semaphore, #tpu.memory_space<semaphore_mem>>
          tpu.enqueue_indirect_dma source(%dma_start3A_136 : memref<80000x128xf32, #tpu.memory_space<hbm>>) target(%arg14 : memref<32x128xf32, #tpu.memory_space<vmem>>) offsets(%dma_start3A_133 : memref<32xi32, #tpu.memory_space<vmem>>) semaphore(%dma_start3A_138 : memref<!tpu.dma_semaphore, #tpu.memory_space<semaphore_mem>>)
          %dma_start3A_139 = arith.constant 2 : i32
          %dma_start3A_140 = arith.constant 0 : i32
          %dma_start3A_141 = arith.constant 0 : i32
          %dma_start3A_142 = tpu.memref_slice %arg10[%dma_start3A_139, %dma_start3A_141] : memref<4x32xi32, #tpu.memory_space<vmem>> -> memref<1x32xi32, #tpu.memory_space<vmem>>
          %dma_start3A_143 = tpu.memref_squeeze %dma_start3A_142 : memref<1x32xi32, #tpu.memory_space<vmem>> -> memref<32xi32, #tpu.memory_space<vmem>>
          %dma_start3A_144 = arith.constant 0 : i32
          %dma_start3A_145 = arith.constant 0 : i32
          %dma_start3A_146 = tpu.memref_slice %arg3[%dma_start3A_144, %dma_start3A_145] : memref<10000x128xf32, #tpu.memory_space<hbm>> -> memref<10000x128xf32, #tpu.memory_space<hbm>>
          %dma_start3A_147 = tpu.memref_slice %arg21[%dma_start3A_140] : memref<2x!tpu.dma_semaphore, #tpu.memory_space<semaphore_mem>> -> memref<1x!tpu.dma_semaphore, #tpu.memory_space<semaphore_mem>>
          %dma_start3A_148 = tpu.memref_squeeze %dma_start3A_147 : memref<1x!tpu.dma_semaphore, #tpu.memory_space<semaphore_mem>> -> memref<!tpu.dma_semaphore, #tpu.memory_space<semaphore_mem>>
          tpu.enqueue_indirect_dma source(%dma_start3A_146 : memref<10000x128xf32, #tpu.memory_space<hbm>>) target(%arg16 : memref<32x128xf32, #tpu.memory_space<vmem>>) offsets(%dma_start3A_143 : memref<32xi32, #tpu.memory_space<vmem>>) semaphore(%dma_start3A_148 : memref<!tpu.dma_semaphore, #tpu.memory_space<semaphore_mem>>)
        } else {
        }
        %dma_wait3A = arith.constant 0 : i32
        %dma_wait3A_75 = arith.constant 1 : i32
        %dma_wait3A_76 = arith.constant 0 : i32
        %dma_wait3A_77 = tpu.memref_slice %arg11[%dma_wait3A, %dma_wait3A_76] : memref<4x32xi32, #tpu.memory_space<vmem>> -> memref<1x32xi32, #tpu.memory_space<vmem>>
        %dma_wait3A_78 = tpu.memref_squeeze %dma_wait3A_77 : memref<1x32xi32, #tpu.memory_space<vmem>> -> memref<32xi32, #tpu.memory_space<vmem>>
        %dma_wait3A_79 = arith.constant 0 : i32
        %dma_wait3A_80 = arith.constant 0 : i32
        %dma_wait3A_81 = tpu.memref_slice %arg2[%dma_wait3A_79, %dma_wait3A_80] : memref<80000x128xf32, #tpu.memory_space<hbm>> -> memref<80000x128xf32, #tpu.memory_space<hbm>>
        %dma_wait3A_82 = tpu.memref_slice %arg21[%dma_wait3A_75] : memref<2x!tpu.dma_semaphore, #tpu.memory_space<semaphore_mem>> -> memref<1x!tpu.dma_semaphore, #tpu.memory_space<semaphore_mem>>
        %dma_wait3A_83 = tpu.memref_squeeze %dma_wait3A_82 : memref<1x!tpu.dma_semaphore, #tpu.memory_space<semaphore_mem>> -> memref<!tpu.dma_semaphore, #tpu.memory_space<semaphore_mem>>
        tpu.wait_indirect_dma semaphore(%dma_wait3A_83 : memref<!tpu.dma_semaphore, #tpu.memory_space<semaphore_mem>>) src(%dma_wait3A_81 : memref<80000x128xf32, #tpu.memory_space<hbm>>) dst(%arg13 : memref<32x128xf32, #tpu.memory_space<vmem>>)
        %dma_wait3A_84 = arith.constant 1 : i32
        %dma_wait3A_85 = arith.constant 1 : i32
        %dma_wait3A_86 = arith.constant 0 : i32
        %dma_wait3A_87 = tpu.memref_slice %arg11[%dma_wait3A_84, %dma_wait3A_86] : memref<4x32xi32, #tpu.memory_space<vmem>> -> memref<1x32xi32, #tpu.memory_space<vmem>>
        %dma_wait3A_88 = tpu.memref_squeeze %dma_wait3A_87 : memref<1x32xi32, #tpu.memory_space<vmem>> -> memref<32xi32, #tpu.memory_space<vmem>>
        %dma_wait3A_89 = arith.constant 0 : i32
        %dma_wait3A_90 = arith.constant 0 : i32
        %dma_wait3A_91 = tpu.memref_slice %arg2[%dma_wait3A_89, %dma_wait3A_90] : memref<80000x128xf32, #tpu.memory_space<hbm>> -> memref<80000x128xf32, #tpu.memory_space<hbm>>
        %dma_wait3A_92 = tpu.memref_slice %arg21[%dma_wait3A_85] : memref<2x!tpu.dma_semaphore, #tpu.memory_space<semaphore_mem>> -> memref<1x!tpu.dma_semaphore, #tpu.memory_space<semaphore_mem>>
        %dma_wait3A_93 = tpu.memref_squeeze %dma_wait3A_92 : memref<1x!tpu.dma_semaphore, #tpu.memory_space<semaphore_mem>> -> memref<!tpu.dma_semaphore, #tpu.memory_space<semaphore_mem>>
        tpu.wait_indirect_dma semaphore(%dma_wait3A_93 : memref<!tpu.dma_semaphore, #tpu.memory_space<semaphore_mem>>) src(%dma_wait3A_91 : memref<80000x128xf32, #tpu.memory_space<hbm>>) dst(%arg15 : memref<32x128xf32, #tpu.memory_space<vmem>>)
        %dma_wait3A_94 = arith.constant 2 : i32
        %dma_wait3A_95 = arith.constant 1 : i32
        %dma_wait3A_96 = arith.constant 0 : i32
        %dma_wait3A_97 = tpu.memref_slice %arg11[%dma_wait3A_94, %dma_wait3A_96] : memref<4x32xi32, #tpu.memory_space<vmem>> -> memref<1x32xi32, #tpu.memory_space<vmem>>
        %dma_wait3A_98 = tpu.memref_squeeze %dma_wait3A_97 : memref<1x32xi32, #tpu.memory_space<vmem>> -> memref<32xi32, #tpu.memory_space<vmem>>
        %dma_wait3A_99 = arith.constant 0 : i32
        %dma_wait3A_100 = arith.constant 0 : i32
        %dma_wait3A_101 = tpu.memref_slice %arg3[%dma_wait3A_99, %dma_wait3A_100] : memref<10000x128xf32, #tpu.memory_space<hbm>> -> memref<10000x128xf32, #tpu.memory_space<hbm>>
        %dma_wait3A_102 = tpu.memref_slice %arg21[%dma_wait3A_95] : memref<2x!tpu.dma_semaphore, #tpu.memory_space<semaphore_mem>> -> memref<1x!tpu.dma_semaphore, #tpu.memory_space<semaphore_mem>>
        %dma_wait3A_103 = tpu.memref_squeeze %dma_wait3A_102 : memref<1x!tpu.dma_semaphore, #tpu.memory_space<semaphore_mem>> -> memref<!tpu.dma_semaphore, #tpu.memory_space<semaphore_mem>>
        tpu.wait_indirect_dma semaphore(%dma_wait3A_103 : memref<!tpu.dma_semaphore, #tpu.memory_space<semaphore_mem>>) src(%dma_wait3A_101 : memref<10000x128xf32, #tpu.memory_space<hbm>>) dst(%arg17 : memref<32x128xf32, #tpu.memory_space<vmem>>)
        %scan3A_104 = arith.constant 0 : i32
        %scan3A_105 = arith.constant 0 : i32
        %scan3A_106 = arith.constant 32 : i32
        %scan3A_107 = arith.addi %scan3A_105, %scan3A_106 : i32
        %scan3A_108 = arith.constant 1 : i32
        scf.for %scan3A_111 = %scan3A_105 to %scan3A_107 step %scan3A_108  : i32 {
          %get3A = arith.index_cast %scan3A_111 : i32 to index
          %get3A_112 = arith.constant 0 : index
          %get3A_113 = tpu.vector_load %arg13[%get3A, %get3A_112] {strides = array<i32>} : memref<32x128xf32, #tpu.memory_space<vmem>>, vector<1x16xf32>,
          %get3A_114 = vector.shape_cast %get3A_113 : vector<1x16xf32> to vector<16xf32>
          %get3A_115 = arith.index_cast %scan3A_111 : i32 to index
          %get3A_116 = arith.constant 0 : index
          %get3A_117 = tpu.vector_load %arg15[%get3A_115, %get3A_116] {strides = array<i32>} : memref<32x128xf32, #tpu.memory_space<vmem>>, vector<1x16xf32>,
          %get3A_118 = vector.shape_cast %get3A_117 : vector<1x16xf32> to vector<16xf32>
          %add3A_119 = arith.addf %get3A_114, %get3A_118 : vector<16xf32>
          %neg3A = arith.constant 0.000000e+00 : f32
          %neg3A_120 = vector.broadcast %neg3A : f32 to vector<16xf32>
          %neg3A_121 = arith.subf %neg3A_120, %add3A_119 : vector<16xf32>
          %exp3A = math.exp %neg3A_121 : vector<16xf32>
          %add3A_122 = arith.constant 1.000000e+00 : f32
          %add3A_123 = vector.broadcast %add3A_122 : f32 to vector<16xf32>
          %add3A_124 = arith.addf %add3A_123, %exp3A : vector<16xf32>
          %div3A = arith.constant 1.000000e+00 : f32
          %div3A_125 = vector.broadcast %div3A : f32 to vector<16xf32>
          %div3A_126 = arith.divf %div3A_125, %add3A_124 : vector<16xf32>
          %get3A_127 = arith.index_cast %scan3A_111 : i32 to index
          %get3A_128 = arith.constant 0 : index
          %get3A_129 = tpu.vector_load %arg17[%get3A_127, %get3A_128] {strides = array<i32>} : memref<32x128xf32, #tpu.memory_space<vmem>>, vector<1x16xf32>,
          %get3A_130 = vector.shape_cast %get3A_129 : vector<1x16xf32> to vector<16xf32>
          %mul3A_131 = arith.mulf %get3A_130, %div3A_126 : vector<16xf32>
          %swap3A = arith.index_cast %scan3A_111 : i32 to index
          %swap3A_132 = arith.constant 0 : index
          %swap3A_133 = tpu.vector_load %arg19[%swap3A, %swap3A_132] {strides = array<i32>} : memref<32x128xf32, #tpu.memory_space<vmem>>, vector<1x16xf32>,
          %swap3A_134 = vector.shape_cast %swap3A_133 : vector<1x16xf32> to vector<16xf32>
          %swap3A_135 = vector.shape_cast %mul3A_131 : vector<16xf32> to vector<1x16xf32>
          tpu.vector_store %arg19[%swap3A, %swap3A_132], %swap3A_135 {strides = array<i32>} : memref<32x128xf32, #tpu.memory_space<vmem>>, vector<1x16xf32>,
          %get3A_136 = arith.index_cast %scan3A_111 : i32 to index
          %get3A_137 = arith.constant 16 : index
          %get3A_138 = tpu.vector_load %arg13[%get3A_136, %get3A_137] {strides = array<i32>} : memref<32x128xf32, #tpu.memory_space<vmem>>, vector<1x16xf32>,
          %get3A_139 = vector.shape_cast %get3A_138 : vector<1x16xf32> to vector<16xf32>
          %get3A_140 = arith.index_cast %scan3A_111 : i32 to index
          %get3A_141 = arith.constant 16 : index
          %get3A_142 = tpu.vector_load %arg15[%get3A_140, %get3A_141] {strides = array<i32>} : memref<32x128xf32, #tpu.memory_space<vmem>>, vector<1x16xf32>,
          %get3A_143 = vector.shape_cast %get3A_142 : vector<1x16xf32> to vector<16xf32>
          %add3A_144 = arith.addf %get3A_139, %get3A_143 : vector<16xf32>
          %neg3A_145 = arith.constant 0.000000e+00 : f32
          %neg3A_146 = vector.broadcast %neg3A_145 : f32 to vector<16xf32>
          %neg3A_147 = arith.subf %neg3A_146, %add3A_144 : vector<16xf32>
          %exp3A_148 = math.exp %neg3A_147 : vector<16xf32>
          %add3A_149 = arith.constant 1.000000e+00 : f32
          %add3A_150 = vector.broadcast %add3A_149 : f32 to vector<16xf32>
          %add3A_151 = arith.addf %add3A_150, %exp3A_148 : vector<16xf32>
          %div3A_152 = arith.constant 1.000000e+00 : f32
          %div3A_153 = vector.broadcast %div3A_152 : f32 to vector<16xf32>
          %div3A_154 = arith.divf %div3A_153, %add3A_151 : vector<16xf32>
          %get3A_155 = arith.index_cast %scan3A_111 : i32 to index
          %get3A_156 = arith.constant 16 : index
          %get3A_157 = tpu.vector_load %arg17[%get3A_155, %get3A_156] {strides = array<i32>} : memref<32x128xf32, #tpu.memory_space<vmem>>, vector<1x16xf32>,
          %get3A_158 = vector.shape_cast %get3A_157 : vector<1x16xf32> to vector<16xf32>
          %mul3A_159 = arith.mulf %get3A_158, %div3A_154 : vector<16xf32>
          %swap3A_160 = arith.index_cast %scan3A_111 : i32 to index
          %swap3A_161 = arith.constant 16 : index
          %swap3A_162 = tpu.vector_load %arg19[%swap3A_160, %swap3A_161] {strides = array<i32>} : memref<32x128xf32, #tpu.memory_space<vmem>>, vector<1x16xf32>,
          %swap3A_163 = vector.shape_cast %swap3A_162 : vector<1x16xf32> to vector<16xf32>
          %swap3A_164 = vector.shape_cast %mul3A_159 : vector<16xf32> to vector<1x16xf32>
          tpu.vector_store %arg19[%swap3A_160, %swap3A_161], %swap3A_164 {strides = array<i32>} : memref<32x128xf32, #tpu.memory_space<vmem>>, vector<1x16xf32>,
          %get3A_165 = arith.index_cast %scan3A_111 : i32 to index
          %get3A_166 = arith.constant 32 : index
          %get3A_167 = tpu.vector_load %arg13[%get3A_165, %get3A_166] {strides = array<i32>} : memref<32x128xf32, #tpu.memory_space<vmem>>, vector<1x16xf32>,
          %get3A_168 = vector.shape_cast %get3A_167 : vector<1x16xf32> to vector<16xf32>
          %get3A_169 = arith.index_cast %scan3A_111 : i32 to index
          %get3A_170 = arith.constant 32 : index
          %get3A_171 = tpu.vector_load %arg15[%get3A_169, %get3A_170] {strides = array<i32>} : memref<32x128xf32, #tpu.memory_space<vmem>>, vector<1x16xf32>,
          %get3A_172 = vector.shape_cast %get3A_171 : vector<1x16xf32> to vector<16xf32>
          %add3A_173 = arith.addf %get3A_168, %get3A_172 : vector<16xf32>
          %neg3A_174 = arith.constant 0.000000e+00 : f32
          %neg3A_175 = vector.broadcast %neg3A_174 : f32 to vector<16xf32>
          %neg3A_176 = arith.subf %neg3A_175, %add3A_173 : vector<16xf32>
          %exp3A_177 = math.exp %neg3A_176 : vector<16xf32>
          %add3A_178 = arith.constant 1.000000e+00 : f32
          %add3A_179 = vector.broadcast %add3A_178 : f32 to vector<16xf32>
          %add3A_180 = arith.addf %add3A_179, %exp3A_177 : vector<16xf32>
          %div3A_181 = arith.constant 1.000000e+00 : f32
          %div3A_182 = vector.broadcast %div3A_181 : f32 to vector<16xf32>
          %div3A_183 = arith.divf %div3A_182, %add3A_180 : vector<16xf32>
          %get3A_184 = arith.index_cast %scan3A_111 : i32 to index
          %get3A_185 = arith.constant 32 : index
          %get3A_186 = tpu.vector_load %arg17[%get3A_184, %get3A_185] {strides = array<i32>} : memref<32x128xf32, #tpu.memory_space<vmem>>, vector<1x16xf32>,
          %get3A_187 = vector.shape_cast %get3A_186 : vector<1x16xf32> to vector<16xf32>
          %mul3A_188 = arith.mulf %get3A_187, %div3A_183 : vector<16xf32>
          %swap3A_189 = arith.index_cast %scan3A_111 : i32 to index
          %swap3A_190 = arith.constant 32 : index
          %swap3A_191 = tpu.vector_load %arg19[%swap3A_189, %swap3A_190] {strides = array<i32>} : memref<32x128xf32, #tpu.memory_space<vmem>>, vector<1x16xf32>,
          %swap3A_192 = vector.shape_cast %swap3A_191 : vector<1x16xf32> to vector<16xf32>
          %swap3A_193 = vector.shape_cast %mul3A_188 : vector<16xf32> to vector<1x16xf32>
          tpu.vector_store %arg19[%swap3A_189, %swap3A_190], %swap3A_193 {strides = array<i32>} : memref<32x128xf32, #tpu.memory_space<vmem>>, vector<1x16xf32>,
          %get3A_194 = arith.index_cast %scan3A_111 : i32 to index
          %get3A_195 = arith.constant 48 : index
          %get3A_196 = tpu.vector_load %arg13[%get3A_194, %get3A_195] {strides = array<i32>} : memref<32x128xf32, #tpu.memory_space<vmem>>, vector<1x16xf32>,
          %get3A_197 = vector.shape_cast %get3A_196 : vector<1x16xf32> to vector<16xf32>
          %get3A_198 = arith.index_cast %scan3A_111 : i32 to index
          %get3A_199 = arith.constant 48 : index
          %get3A_200 = tpu.vector_load %arg15[%get3A_198, %get3A_199] {strides = array<i32>} : memref<32x128xf32, #tpu.memory_space<vmem>>, vector<1x16xf32>,
          %get3A_201 = vector.shape_cast %get3A_200 : vector<1x16xf32> to vector<16xf32>
          %add3A_202 = arith.addf %get3A_197, %get3A_201 : vector<16xf32>
          %neg3A_203 = arith.constant 0.000000e+00 : f32
          %neg3A_204 = vector.broadcast %neg3A_203 : f32 to vector<16xf32>
          %neg3A_205 = arith.subf %neg3A_204, %add3A_202 : vector<16xf32>
          %exp3A_206 = math.exp %neg3A_205 : vector<16xf32>
          %add3A_207 = arith.constant 1.000000e+00 : f32
          %add3A_208 = vector.broadcast %add3A_207 : f32 to vector<16xf32>
          %add3A_209 = arith.addf %add3A_208, %exp3A_206 : vector<16xf32>
          %div3A_210 = arith.constant 1.000000e+00 : f32
          %div3A_211 = vector.broadcast %div3A_210 : f32 to vector<16xf32>
          %div3A_212 = arith.divf %div3A_211, %add3A_209 : vector<16xf32>
          %get3A_213 = arith.index_cast %scan3A_111 : i32 to index
          %get3A_214 = arith.constant 48 : index
          %get3A_215 = tpu.vector_load %arg17[%get3A_213, %get3A_214] {strides = array<i32>} : memref<32x128xf32, #tpu.memory_space<vmem>>, vector<1x16xf32>,
          %get3A_216 = vector.shape_cast %get3A_215 : vector<1x16xf32> to vector<16xf32>
          %mul3A_217 = arith.mulf %get3A_216, %div3A_212 : vector<16xf32>
          %swap3A_218 = arith.index_cast %scan3A_111 : i32 to index
          %swap3A_219 = arith.constant 48 : index
          %swap3A_220 = tpu.vector_load %arg19[%swap3A_218, %swap3A_219] {strides = array<i32>} : memref<32x128xf32, #tpu.memory_space<vmem>>, vector<1x16xf32>,
          %swap3A_221 = vector.shape_cast %swap3A_220 : vector<1x16xf32> to vector<16xf32>
          %swap3A_222 = vector.shape_cast %mul3A_217 : vector<16xf32> to vector<1x16xf32>
          tpu.vector_store %arg19[%swap3A_218, %swap3A_219], %swap3A_222 {strides = array<i32>} : memref<32x128xf32, #tpu.memory_space<vmem>>, vector<1x16xf32>,
          %get3A_223 = arith.index_cast %scan3A_111 : i32 to index
          %get3A_224 = arith.constant 64 : index
          %get3A_225 = tpu.vector_load %arg13[%get3A_223, %get3A_224] {strides = array<i32>} : memref<32x128xf32, #tpu.memory_space<vmem>>, vector<1x16xf32>,
          %get3A_226 = vector.shape_cast %get3A_225 : vector<1x16xf32> to vector<16xf32>
          %get3A_227 = arith.index_cast %scan3A_111 : i32 to index
          %get3A_228 = arith.constant 64 : index
          %get3A_229 = tpu.vector_load %arg15[%get3A_227, %get3A_228] {strides = array<i32>} : memref<32x128xf32, #tpu.memory_space<vmem>>, vector<1x16xf32>,
          %get3A_230 = vector.shape_cast %get3A_229 : vector<1x16xf32> to vector<16xf32>
          %add3A_231 = arith.addf %get3A_226, %get3A_230 : vector<16xf32>
          %neg3A_232 = arith.constant 0.000000e+00 : f32
          %neg3A_233 = vector.broadcast %neg3A_232 : f32 to vector<16xf32>
          %neg3A_234 = arith.subf %neg3A_233, %add3A_231 : vector<16xf32>
          %exp3A_235 = math.exp %neg3A_234 : vector<16xf32>
          %add3A_236 = arith.constant 1.000000e+00 : f32
          %add3A_237 = vector.broadcast %add3A_236 : f32 to vector<16xf32>
          %add3A_238 = arith.addf %add3A_237, %exp3A_235 : vector<16xf32>
          %div3A_239 = arith.constant 1.000000e+00 : f32
          %div3A_240 = vector.broadcast %div3A_239 : f32 to vector<16xf32>
          %div3A_241 = arith.divf %div3A_240, %add3A_238 : vector<16xf32>
          %get3A_242 = arith.index_cast %scan3A_111 : i32 to index
          %get3A_243 = arith.constant 64 : index
          %get3A_244 = tpu.vector_load %arg17[%get3A_242, %get3A_243] {strides = array<i32>} : memref<32x128xf32, #tpu.memory_space<vmem>>, vector<1x16xf32>,
          %get3A_245 = vector.shape_cast %get3A_244 : vector<1x16xf32> to vector<16xf32>
          %mul3A_246 = arith.mulf %get3A_245, %div3A_241 : vector<16xf32>
          %swap3A_247 = arith.index_cast %scan3A_111 : i32 to index
          %swap3A_248 = arith.constant 64 : index
          %swap3A_249 = tpu.vector_load %arg19[%swap3A_247, %swap3A_248] {strides = array<i32>} : memref<32x128xf32, #tpu.memory_space<vmem>>, vector<1x16xf32>,
          %swap3A_250 = vector.shape_cast %swap3A_249 : vector<1x16xf32> to vector<16xf32>
          %swap3A_251 = vector.shape_cast %mul3A_246 : vector<16xf32> to vector<1x16xf32>
          tpu.vector_store %arg19[%swap3A_247, %swap3A_248], %swap3A_251 {strides = array<i32>} : memref<32x128xf32, #tpu.memory_space<vmem>>, vector<1x16xf32>,
          %get3A_252 = arith.index_cast %scan3A_111 : i32 to index
          %get3A_253 = arith.constant 80 : index
          %get3A_254 = tpu.vector_load %arg13[%get3A_252, %get3A_253] {strides = array<i32>} : memref<32x128xf32, #tpu.memory_space<vmem>>, vector<1x16xf32>,
          %get3A_255 = vector.shape_cast %get3A_254 : vector<1x16xf32> to vector<16xf32>
          %get3A_256 = arith.index_cast %scan3A_111 : i32 to index
          %get3A_257 = arith.constant 80 : index
          %get3A_258 = tpu.vector_load %arg15[%get3A_256, %get3A_257] {strides = array<i32>} : memref<32x128xf32, #tpu.memory_space<vmem>>, vector<1x16xf32>,
          %get3A_259 = vector.shape_cast %get3A_258 : vector<1x16xf32> to vector<16xf32>
          %add3A_260 = arith.addf %get3A_255, %get3A_259 : vector<16xf32>
          %neg3A_261 = arith.constant 0.000000e+00 : f32
          %neg3A_262 = vector.broadcast %neg3A_261 : f32 to vector<16xf32>
          %neg3A_263 = arith.subf %neg3A_262, %add3A_260 : vector<16xf32>
          %exp3A_264 = math.exp %neg3A_263 : vector<16xf32>
          %add3A_265 = arith.constant 1.000000e+00 : f32
          %add3A_266 = vector.broadcast %add3A_265 : f32 to vector<16xf32>
          %add3A_267 = arith.addf %add3A_266, %exp3A_264 : vector<16xf32>
          %div3A_268 = arith.constant 1.000000e+00 : f32
          %div3A_269 = vector.broadcast %div3A_268 : f32 to vector<16xf32>
          %div3A_270 = arith.divf %div3A_269, %add3A_267 : vector<16xf32>
          %get3A_271 = arith.index_cast %scan3A_111 : i32 to index
          %get3A_272 = arith.constant 80 : index
          %get3A_273 = tpu.vector_load %arg17[%get3A_271, %get3A_272] {strides = array<i32>} : memref<32x128xf32, #tpu.memory_space<vmem>>, vector<1x16xf32>,
          %get3A_274 = vector.shape_cast %get3A_273 : vector<1x16xf32> to vector<16xf32>
          %mul3A_275 = arith.mulf %get3A_274, %div3A_270 : vector<16xf32>
          %swap3A_276 = arith.index_cast %scan3A_111 : i32 to index
          %swap3A_277 = arith.constant 80 : index
          %swap3A_278 = tpu.vector_load %arg19[%swap3A_276, %swap3A_277] {strides = array<i32>} : memref<32x128xf32, #tpu.memory_space<vmem>>, vector<1x16xf32>,
          %swap3A_279 = vector.shape_cast %swap3A_278 : vector<1x16xf32> to vector<16xf32>
          %swap3A_280 = vector.shape_cast %mul3A_275 : vector<16xf32> to vector<1x16xf32>
          tpu.vector_store %arg19[%swap3A_276, %swap3A_277], %swap3A_280 {strides = array<i32>} : memref<32x128xf32, #tpu.memory_space<vmem>>, vector<1x16xf32>,
          %get3A_281 = arith.index_cast %scan3A_111 : i32 to index
          %get3A_282 = arith.constant 96 : index
          %get3A_283 = tpu.vector_load %arg13[%get3A_281, %get3A_282] {strides = array<i32>} : memref<32x128xf32, #tpu.memory_space<vmem>>, vector<1x16xf32>,
          %get3A_284 = vector.shape_cast %get3A_283 : vector<1x16xf32> to vector<16xf32>
          %get3A_285 = arith.index_cast %scan3A_111 : i32 to index
          %get3A_286 = arith.constant 96 : index
          %get3A_287 = tpu.vector_load %arg15[%get3A_285, %get3A_286] {strides = array<i32>} : memref<32x128xf32, #tpu.memory_space<vmem>>, vector<1x16xf32>,
          %get3A_288 = vector.shape_cast %get3A_287 : vector<1x16xf32> to vector<16xf32>
          %add3A_289 = arith.addf %get3A_284, %get3A_288 : vector<16xf32>
          %neg3A_290 = arith.constant 0.000000e+00 : f32
          %neg3A_291 = vector.broadcast %neg3A_290 : f32 to vector<16xf32>
          %neg3A_292 = arith.subf %neg3A_291, %add3A_289 : vector<16xf32>
          %exp3A_293 = math.exp %neg3A_292 : vector<16xf32>
          %add3A_294 = arith.constant 1.000000e+00 : f32
          %add3A_295 = vector.broadcast %add3A_294 : f32 to vector<16xf32>
          %add3A_296 = arith.addf %add3A_295, %exp3A_293 : vector<16xf32>
          %div3A_297 = arith.constant 1.000000e+00 : f32
          %div3A_298 = vector.broadcast %div3A_297 : f32 to vector<16xf32>
          %div3A_299 = arith.divf %div3A_298, %add3A_296 : vector<16xf32>
          %get3A_300 = arith.index_cast %scan3A_111 : i32 to index
          %get3A_301 = arith.constant 96 : index
          %get3A_302 = tpu.vector_load %arg17[%get3A_300, %get3A_301] {strides = array<i32>} : memref<32x128xf32, #tpu.memory_space<vmem>>, vector<1x16xf32>,
          %get3A_303 = vector.shape_cast %get3A_302 : vector<1x16xf32> to vector<16xf32>
          %mul3A_304 = arith.mulf %get3A_303, %div3A_299 : vector<16xf32>
          %swap3A_305 = arith.index_cast %scan3A_111 : i32 to index
          %swap3A_306 = arith.constant 96 : index
          %swap3A_307 = tpu.vector_load %arg19[%swap3A_305, %swap3A_306] {strides = array<i32>} : memref<32x128xf32, #tpu.memory_space<vmem>>, vector<1x16xf32>,
          %swap3A_308 = vector.shape_cast %swap3A_307 : vector<1x16xf32> to vector<16xf32>
          %swap3A_309 = vector.shape_cast %mul3A_304 : vector<16xf32> to vector<1x16xf32>
          tpu.vector_store %arg19[%swap3A_305, %swap3A_306], %swap3A_309 {strides = array<i32>} : memref<32x128xf32, #tpu.memory_space<vmem>>, vector<1x16xf32>,
          %get3A_310 = arith.index_cast %scan3A_111 : i32 to index
          %get3A_311 = arith.constant 112 : index
          %get3A_312 = tpu.vector_load %arg13[%get3A_310, %get3A_311] {strides = array<i32>} : memref<32x128xf32, #tpu.memory_space<vmem>>, vector<1x16xf32>,
          %get3A_313 = vector.shape_cast %get3A_312 : vector<1x16xf32> to vector<16xf32>
          %get3A_314 = arith.index_cast %scan3A_111 : i32 to index
          %get3A_315 = arith.constant 112 : index
          %get3A_316 = tpu.vector_load %arg15[%get3A_314, %get3A_315] {strides = array<i32>} : memref<32x128xf32, #tpu.memory_space<vmem>>, vector<1x16xf32>,
          %get3A_317 = vector.shape_cast %get3A_316 : vector<1x16xf32> to vector<16xf32>
          %add3A_318 = arith.addf %get3A_313, %get3A_317 : vector<16xf32>
          %neg3A_319 = arith.constant 0.000000e+00 : f32
          %neg3A_320 = vector.broadcast %neg3A_319 : f32 to vector<16xf32>
          %neg3A_321 = arith.subf %neg3A_320, %add3A_318 : vector<16xf32>
          %exp3A_322 = math.exp %neg3A_321 : vector<16xf32>
          %add3A_323 = arith.constant 1.000000e+00 : f32
          %add3A_324 = vector.broadcast %add3A_323 : f32 to vector<16xf32>
          %add3A_325 = arith.addf %add3A_324, %exp3A_322 : vector<16xf32>
          %div3A_326 = arith.constant 1.000000e+00 : f32
          %div3A_327 = vector.broadcast %div3A_326 : f32 to vector<16xf32>
          %div3A_328 = arith.divf %div3A_327, %add3A_325 : vector<16xf32>
          %get3A_329 = arith.index_cast %scan3A_111 : i32 to index
          %get3A_330 = arith.constant 112 : index
          %get3A_331 = tpu.vector_load %arg17[%get3A_329, %get3A_330] {strides = array<i32>} : memref<32x128xf32, #tpu.memory_space<vmem>>, vector<1x16xf32>,
          %get3A_332 = vector.shape_cast %get3A_331 : vector<1x16xf32> to vector<16xf32>
          %mul3A_333 = arith.mulf %get3A_332, %div3A_328 : vector<16xf32>
          %swap3A_334 = arith.index_cast %scan3A_111 : i32 to index
          %swap3A_335 = arith.constant 112 : index
          %swap3A_336 = tpu.vector_load %arg19[%swap3A_334, %swap3A_335] {strides = array<i32>} : memref<32x128xf32, #tpu.memory_space<vmem>>, vector<1x16xf32>,
          %swap3A_337 = vector.shape_cast %swap3A_336 : vector<1x16xf32> to vector<16xf32>
          %swap3A_338 = vector.shape_cast %mul3A_333 : vector<16xf32> to vector<1x16xf32>
          tpu.vector_store %arg19[%swap3A_334, %swap3A_335], %swap3A_338 {strides = array<i32>} : memref<32x128xf32, #tpu.memory_space<vmem>>, vector<1x16xf32>,
        }
        %scan3A_109 = arith.constant 32 : i32
        %run_scoped3A = arith.constant 3 : i32
        "tpu.region"() ({
          %run_scoped3A_111 = tpu.sem_alloc : memref<!tpu.dma_semaphore, #tpu.memory_space<semaphore_mem>>
          %dma_start3A_112 = arith.constant 0 : i32
          %dma_start3A_113 = tpu.memref_slice %arg11[%run_scoped3A, %dma_start3A_112] : memref<4x32xi32, #tpu.memory_space<vmem>> -> memref<1x32xi32, #tpu.memory_space<vmem>>
          %dma_start3A_114 = tpu.memref_squeeze %dma_start3A_113 : memref<1x32xi32, #tpu.memory_space<vmem>> -> memref<32xi32, #tpu.memory_space<vmem>>
          %dma_start3A_115 = arith.constant 0 : i32
          %dma_start3A_116 = arith.constant 0 : i32
          %dma_start3A_117 = tpu.memref_slice %arg8[%dma_start3A_115, %dma_start3A_116] : memref<10016x128xf32, #tpu.memory_space<vmem_shared>> -> memref<10016x128xf32, #tpu.memory_space<vmem_shared>>
          tpu.enqueue_indirect_dma source(%arg19 : memref<32x128xf32, #tpu.memory_space<vmem>>) target(%dma_start3A_117 : memref<10016x128xf32, #tpu.memory_space<vmem_shared>>) offsets(%dma_start3A_114 : memref<32xi32, #tpu.memory_space<vmem>>) semaphore(%run_scoped3A_111 : memref<!tpu.dma_semaphore, #tpu.memory_space<semaphore_mem>>) {add = true}
          %dma_wait3A_118 = arith.constant 0 : i32
          %dma_wait3A_119 = tpu.memref_slice %arg11[%run_scoped3A, %dma_wait3A_118] : memref<4x32xi32, #tpu.memory_space<vmem>> -> memref<1x32xi32, #tpu.memory_space<vmem>>
          %dma_wait3A_120 = tpu.memref_squeeze %dma_wait3A_119 : memref<1x32xi32, #tpu.memory_space<vmem>> -> memref<32xi32, #tpu.memory_space<vmem>>
          %dma_wait3A_121 = arith.constant 0 : i32
          %dma_wait3A_122 = arith.constant 0 : i32
          %dma_wait3A_123 = tpu.memref_slice %arg8[%dma_wait3A_121, %dma_wait3A_122] : memref<10016x128xf32, #tpu.memory_space<vmem_shared>> -> memref<10016x128xf32, #tpu.memory_space<vmem_shared>>
          tpu.wait_indirect_dma semaphore(%run_scoped3A_111 : memref<!tpu.dma_semaphore, #tpu.memory_space<semaphore_mem>>) src(%arg19 : memref<32x128xf32, #tpu.memory_space<vmem>>) dst(%dma_wait3A_123 : memref<10016x128xf32, #tpu.memory_space<vmem_shared>>)
          tpu.yield
        }) : () -> ()
        %run_scoped3A_110 = arith.constant 3 : i32
        "tpu.region"() ({
          %run_scoped3A_111 = tpu.sem_alloc : memref<!tpu.dma_semaphore, #tpu.memory_space<semaphore_mem>>
          %dma_start3A_112 = arith.constant 0 : i32
          %dma_start3A_113 = tpu.memref_slice %arg11[%run_scoped3A_110, %dma_start3A_112] : memref<4x32xi32, #tpu.memory_space<vmem>> -> memref<1x32xi32, #tpu.memory_space<vmem>>
          %dma_start3A_114 = tpu.memref_squeeze %dma_start3A_113 : memref<1x32xi32, #tpu.memory_space<vmem>> -> memref<32xi32, #tpu.memory_space<vmem>>
          %dma_start3A_115 = arith.constant 0 : i32
          %dma_start3A_116 = arith.constant 0 : i32
          %dma_start3A_117 = tpu.memref_slice %arg9[%dma_start3A_115, %dma_start3A_116] : memref<10016x16xf32, #tpu.memory_space<vmem_shared>> -> memref<10016x16xf32, #tpu.memory_space<vmem_shared>>
          tpu.enqueue_indirect_dma source(%arg20 : memref<32x16xf32, #tpu.memory_space<vmem>>) target(%dma_start3A_117 : memref<10016x16xf32, #tpu.memory_space<vmem_shared>>) offsets(%dma_start3A_114 : memref<32xi32, #tpu.memory_space<vmem>>) semaphore(%run_scoped3A_111 : memref<!tpu.dma_semaphore, #tpu.memory_space<semaphore_mem>>) {add = true}
          %dma_wait3A_118 = arith.constant 0 : i32
          %dma_wait3A_119 = tpu.memref_slice %arg11[%run_scoped3A_110, %dma_wait3A_118] : memref<4x32xi32, #tpu.memory_space<vmem>> -> memref<1x32xi32, #tpu.memory_space<vmem>>
          %dma_wait3A_120 = tpu.memref_squeeze %dma_wait3A_119 : memref<1x32xi32, #tpu.memory_space<vmem>> -> memref<32xi32, #tpu.memory_space<vmem>>
          %dma_wait3A_121 = arith.constant 0 : i32
          %dma_wait3A_122 = arith.constant 0 : i32
          %dma_wait3A_123 = tpu.memref_slice %arg9[%dma_wait3A_121, %dma_wait3A_122] : memref<10016x16xf32, #tpu.memory_space<vmem_shared>> -> memref<10016x16xf32, #tpu.memory_space<vmem_shared>>
          tpu.wait_indirect_dma semaphore(%run_scoped3A_111 : memref<!tpu.dma_semaphore, #tpu.memory_space<semaphore_mem>>) src(%arg20 : memref<32x16xf32, #tpu.memory_space<vmem>>) dst(%dma_wait3A_123 : memref<10016x16xf32, #tpu.memory_space<vmem_shared>>)
          tpu.yield
        }) : () -> ()
      }
    }
    %scan3A_56 = arith.constant 157 : i32
    %barrier3A_57 = arith.constant 0 : index
    tpu.barrier barrier_id(%barrier3A_57)
    %mul3A_58 = arith.constant 626 : i32
    %mul3A_59 = arith.muli %arg1, %mul3A_58 : i32
    %mul3A_60 = arith.constant 626 : i32
    %mul3A_61 = arith.muli %arg1, %mul3A_60 : i32
    "tpu.region"() ({
      %run_scoped3A = tpu.sem_alloc : memref<!tpu.dma_semaphore, #tpu.memory_space<semaphore_mem>>
      %dma_start3A_66 = arith.constant 0 : i32
      %dma_start3A_67 = tpu.memref_slice %arg6[%arg0, %mul3A_61, %dma_start3A_66] : memref<2x10016x128xf32, #tpu.memory_space<hbm>> -> memref<1x626x128xf32, #tpu.memory_space<hbm>>
      %dma_start3A_68 = tpu.memref_squeeze %dma_start3A_67 : memref<1x626x128xf32, #tpu.memory_space<hbm>> -> memref<626x128xf32, #tpu.memory_space<hbm>>
      %dma_start3A_69 = arith.constant 0 : i32
      %dma_start3A_70 = tpu.memref_slice %arg8[%mul3A_59, %dma_start3A_69] : memref<10016x128xf32, #tpu.memory_space<vmem_shared>> -> memref<626x128xf32, #tpu.memory_space<vmem_shared>>
      tpu.enqueue_dma source(%dma_start3A_70 : memref<626x128xf32, #tpu.memory_space<vmem_shared>>) target(%dma_start3A_68 : memref<626x128xf32, #tpu.memory_space<hbm>>) target_semaphore(%run_scoped3A : memref<!tpu.dma_semaphore, #tpu.memory_space<semaphore_mem>>)
      %dma_wait3A = arith.constant 0 : i32
      %dma_wait3A_71 = tpu.memref_slice %arg6[%arg0, %mul3A_61, %dma_wait3A] : memref<2x10016x128xf32, #tpu.memory_space<hbm>> -> memref<1x626x128xf32, #tpu.memory_space<hbm>>
      %dma_wait3A_72 = tpu.memref_squeeze %dma_wait3A_71 : memref<1x626x128xf32, #tpu.memory_space<hbm>> -> memref<626x128xf32, #tpu.memory_space<hbm>>
      %dma_wait3A_73 = arith.constant 0 : i32
      %dma_wait3A_74 = tpu.memref_slice %arg8[%mul3A_59, %dma_wait3A_73] : memref<10016x128xf32, #tpu.memory_space<vmem_shared>> -> memref<626x128xf32, #tpu.memory_space<vmem_shared>>
      tpu.wait_dma2 semaphore(%run_scoped3A : memref<!tpu.dma_semaphore, #tpu.memory_space<semaphore_mem>>) src(%dma_wait3A_74 : memref<626x128xf32, #tpu.memory_space<vmem_shared>>) dst(%dma_wait3A_72 : memref<626x128xf32, #tpu.memory_space<hbm>>)
      tpu.yield
    }) : () -> ()
    %mul3A_62 = arith.constant 626 : i32
    %mul3A_63 = arith.muli %arg1, %mul3A_62 : i32
    %mul3A_64 = arith.constant 626 : i32
    %mul3A_65 = arith.muli %arg1, %mul3A_64 : i32
    "tpu.region"() ({
      %run_scoped3A = tpu.sem_alloc : memref<!tpu.dma_semaphore, #tpu.memory_space<semaphore_mem>>
      %dma_start3A_66 = arith.constant 0 : i32
      %dma_start3A_67 = tpu.memref_slice %arg7[%arg0, %mul3A_65, %dma_start3A_66] : memref<2x10016x16xf32, #tpu.memory_space<hbm>> -> memref<1x626x16xf32, #tpu.memory_space<hbm>>
      %dma_start3A_68 = tpu.memref_squeeze %dma_start3A_67 : memref<1x626x16xf32, #tpu.memory_space<hbm>> -> memref<626x16xf32, #tpu.memory_space<hbm>>
      %dma_start3A_69 = arith.constant 0 : i32
      %dma_start3A_70 = tpu.memref_slice %arg9[%mul3A_63, %dma_start3A_69] : memref<10016x16xf32, #tpu.memory_space<vmem_shared>> -> memref<626x16xf32, #tpu.memory_space<vmem_shared>>
      tpu.enqueue_dma source(%dma_start3A_70 : memref<626x16xf32, #tpu.memory_space<vmem_shared>>) target(%dma_start3A_68 : memref<626x16xf32, #tpu.memory_space<hbm>>) target_semaphore(%run_scoped3A : memref<!tpu.dma_semaphore, #tpu.memory_space<semaphore_mem>>)
      %dma_wait3A = arith.constant 0 : i32
      %dma_wait3A_71 = tpu.memref_slice %arg7[%arg0, %mul3A_65, %dma_wait3A] : memref<2x10016x16xf32, #tpu.memory_space<hbm>> -> memref<1x626x16xf32, #tpu.memory_space<hbm>>
      %dma_wait3A_72 = tpu.memref_squeeze %dma_wait3A_71 : memref<1x626x16xf32, #tpu.memory_space<hbm>> -> memref<626x16xf32, #tpu.memory_space<hbm>>
      %dma_wait3A_73 = arith.constant 0 : i32
      %dma_wait3A_74 = tpu.memref_slice %arg9[%mul3A_63, %dma_wait3A_73] : memref<10016x16xf32, #tpu.memory_space<vmem_shared>> -> memref<626x16xf32, #tpu.memory_space<vmem_shared>>
      tpu.wait_dma2 semaphore(%run_scoped3A : memref<!tpu.dma_semaphore, #tpu.memory_space<semaphore_mem>>) src(%dma_wait3A_74 : memref<626x16xf32, #tpu.memory_space<vmem_shared>>) dst(%dma_wait3A_72 : memref<626x16xf32, #tpu.memory_space<hbm>>)
      tpu.yield
    }) : () -> ()
    return
  }
}

module attributes {stable_mosaic.version = 14 : i64} {
  func.func @_tab_body(%arg0: i32, %arg1: i32, %arg2: memref<2000x128xf32, #tpu.memory_space<vmem>>, %arg3: memref<1x128x128xf32, #tpu.memory_space<vmem>>, %arg4: memref<1x2000x128xf32, #tpu.memory_space<vmem>>) attributes {dimension_semantics = [#tpu.dimension_semantics<arbitrary>, #tpu.dimension_semantics<arbitrary>], iteration_bounds = array<i64: 8, 5>, scalar_prefetch = 0 : i64, scratch_operands = 0 : i64, tpu.core_type = #tpu.core_type<tc>, window_params = [{transform_indices = @transform_0, window_bounds = array<i64: 2000, 128>}, {transform_indices = @transform_1, window_bounds = array<i64: 1, 128, 128>}, {transform_indices = @transform_2, window_bounds = array<i64: 1, 2000, 128>}]} {
    %get3A = arith.constant 0 : index
    %get3A_0 = arith.constant 0 : index
    %get3A_1 = vector.load %arg2[%get3A, %get3A_0] : memref<2000x128xf32, #tpu.memory_space<vmem>>, vector<2000x128xf32>
    %get3A_2 = arith.constant 0 : index
    %get3A_3 = arith.constant 0 : index
    %get3A_4 = arith.constant 0 : index
    %get3A_5 = vector.load %arg3[%get3A_2, %get3A_3, %get3A_4] : memref<1x128x128xf32, #tpu.memory_space<vmem>>, vector<1x128x128xf32>
    %get3A_6 = vector.shape_cast %get3A_5 : vector<1x128x128xf32> to vector<128x128xf32>
    %dot_general3A = arith.constant dense<0.000000e+00> : vector<2000x128xf32>
    %dot_general3A_7 = tpu.matmul %get3A_1, %get3A_6, %dot_general3A {dimension_numbers = #tpu.dot_dimension_numbers<[1], [0], [0], [1], [0, 0, 1, 1], [], []>, transpose_lhs_hint = false} : vector<2000x128xf32>, vector<128x128xf32>, vector<2000x128xf32> -> vector<2000x128xf32>
    %swap3A = arith.constant 0 : index
    %swap3A_8 = arith.constant 0 : index
    %swap3A_9 = arith.constant 0 : index
    %swap3A_10 = vector.load %arg4[%swap3A, %swap3A_8, %swap3A_9] : memref<1x2000x128xf32, #tpu.memory_space<vmem>>, vector<1x2000x128xf32>
    %swap3A_11 = vector.shape_cast %swap3A_10 : vector<1x2000x128xf32> to vector<2000x128xf32>
    %swap3A_12 = vector.shape_cast %dot_general3A_7 : vector<2000x128xf32> to vector<1x2000x128xf32>
    tpu.vector_store %arg4[%swap3A, %swap3A_8, %swap3A_9], %swap3A_12 {strides = array<i32>} : memref<1x2000x128xf32, #tpu.memory_space<vmem>>, vector<1x2000x128xf32>,
    return
  }
  func.func @transform_0(%arg0: i32, %arg1: i32) -> (i32, i32) {
    %c0_i32 = arith.constant 0 : i32
    %c0_i32_0 = arith.constant 0 : i32
    return %arg1, %c0_i32 : i32, i32
  }
  func.func @transform_1(%arg0: i32, %arg1: i32) -> (i32, i32, i32) {
    %c0_i32 = arith.constant 0 : i32
    %c0_i32_0 = arith.constant 0 : i32
    %c0_i32_1 = arith.constant 0 : i32
    return %arg0, %c0_i32, %c0_i32_0 : i32, i32, i32
  }
  func.func @transform_2(%arg0: i32, %arg1: i32) -> (i32, i32, i32) {
    %c0_i32 = arith.constant 0 : i32
    %c0_i32_0 = arith.constant 0 : i32
    return %arg0, %arg1, %c0_i32 : i32, i32, i32
  }
}

module attributes {stable_mosaic.version = 14 : i64} {
  func.func @_idx_body(%arg0: memref<1256x128xi32, #tpu.memory_space<vmem>>, %arg1: memref<1256x128xi32, #tpu.memory_space<vmem>>, %arg2: memref<1256x128xi32, #tpu.memory_space<vmem>>, %arg3: memref<4x1256x128xi32, #tpu.memory_space<vmem>>) attributes {dimension_semantics = [], scalar_prefetch = 0 : i64, scratch_operands = 0 : i64, tpu.core_type = #tpu.core_type<tc>} {
    %get3A = arith.constant 0 : index
    %get3A_0 = arith.constant 0 : index
    %get3A_1 = vector.load %arg2[%get3A, %get3A_0] : memref<1256x128xi32, #tpu.memory_space<vmem>>, vector<1256x128xi32>
    %mul3A = arith.constant 10000 : i32
    %mul3A_2 = vector.broadcast %mul3A : i32 to vector<1256x128xi32>
    %mul3A_3 = arith.muli %get3A_1, %mul3A_2 : vector<1256x128xi32>
    %get3A_4 = arith.constant 0 : index
    %get3A_5 = arith.constant 0 : index
    %get3A_6 = vector.load %arg1[%get3A_4, %get3A_5] : memref<1256x128xi32, #tpu.memory_space<vmem>>, vector<1256x128xi32>
    %add3A = arith.addi %mul3A_3, %get3A_6 : vector<1256x128xi32>
    %swap3A = arith.constant 0 : index
    %swap3A_7 = arith.constant 0 : index
    %swap3A_8 = arith.constant 0 : index
    %swap3A_9 = vector.load %arg3[%swap3A, %swap3A_7, %swap3A_8] : memref<4x1256x128xi32, #tpu.memory_space<vmem>>, vector<1x1256x128xi32>
    %swap3A_10 = vector.shape_cast %swap3A_9 : vector<1x1256x128xi32> to vector<1256x128xi32>
    %swap3A_11 = vector.shape_cast %add3A : vector<1256x128xi32> to vector<1x1256x128xi32>
    tpu.vector_store %arg3[%swap3A, %swap3A_7, %swap3A_8], %swap3A_11 {strides = array<i32>} : memref<4x1256x128xi32, #tpu.memory_space<vmem>>, vector<1x1256x128xi32>,
    %get3A_12 = arith.constant 0 : index
    %get3A_13 = arith.constant 0 : index
    %get3A_14 = vector.load %arg0[%get3A_12, %get3A_13] : memref<1256x128xi32, #tpu.memory_space<vmem>>, vector<1256x128xi32>
    %add3A_15 = arith.addi %mul3A_3, %get3A_14 : vector<1256x128xi32>
    %add3A_16 = arith.constant 40000 : i32
    %add3A_17 = vector.broadcast %add3A_16 : i32 to vector<1256x128xi32>
    %add3A_18 = arith.addi %add3A_15, %add3A_17 : vector<1256x128xi32>
    %swap3A_19 = arith.constant 1 : index
    %swap3A_20 = arith.constant 0 : index
    %swap3A_21 = arith.constant 0 : index
    %swap3A_22 = vector.load %arg3[%swap3A_19, %swap3A_20, %swap3A_21] : memref<4x1256x128xi32, #tpu.memory_space<vmem>>, vector<1x1256x128xi32>
    %swap3A_23 = vector.shape_cast %swap3A_22 : vector<1x1256x128xi32> to vector<1256x128xi32>
    %swap3A_24 = vector.shape_cast %add3A_18 : vector<1256x128xi32> to vector<1x1256x128xi32>
    tpu.vector_store %arg3[%swap3A_19, %swap3A_20, %swap3A_21], %swap3A_24 {strides = array<i32>} : memref<4x1256x128xi32, #tpu.memory_space<vmem>>, vector<1x1256x128xi32>,
    %get3A_25 = arith.constant 0 : index
    %get3A_26 = arith.constant 0 : index
    %get3A_27 = vector.load %arg0[%get3A_25, %get3A_26] : memref<1256x128xi32, #tpu.memory_space<vmem>>, vector<1256x128xi32>
    %swap3A_28 = arith.constant 2 : index
    %swap3A_29 = arith.constant 0 : index
    %swap3A_30 = arith.constant 0 : index
    %swap3A_31 = vector.load %arg3[%swap3A_28, %swap3A_29, %swap3A_30] : memref<4x1256x128xi32, #tpu.memory_space<vmem>>, vector<1x1256x128xi32>
    %swap3A_32 = vector.shape_cast %swap3A_31 : vector<1x1256x128xi32> to vector<1256x128xi32>
    %swap3A_33 = vector.shape_cast %get3A_27 : vector<1256x128xi32> to vector<1x1256x128xi32>
    tpu.vector_store %arg3[%swap3A_28, %swap3A_29, %swap3A_30], %swap3A_33 {strides = array<i32>} : memref<4x1256x128xi32, #tpu.memory_space<vmem>>, vector<1x1256x128xi32>,
    %get3A_34 = arith.constant 0 : index
    %get3A_35 = arith.constant 0 : index
    %get3A_36 = vector.load %arg1[%get3A_34, %get3A_35] : memref<1256x128xi32, #tpu.memory_space<vmem>>, vector<1256x128xi32>
    %swap3A_37 = arith.constant 3 : index
    %swap3A_38 = arith.constant 0 : index
    %swap3A_39 = arith.constant 0 : index
    %swap3A_40 = vector.load %arg3[%swap3A_37, %swap3A_38, %swap3A_39] : memref<4x1256x128xi32, #tpu.memory_space<vmem>>, vector<1x1256x128xi32>
    %swap3A_41 = vector.shape_cast %swap3A_40 : vector<1x1256x128xi32> to vector<1256x128xi32>
    %swap3A_42 = vector.shape_cast %get3A_36 : vector<1256x128xi32> to vector<1x1256x128xi32>
    tpu.vector_store %arg3[%swap3A_37, %swap3A_38, %swap3A_39], %swap3A_42 {strides = array<i32>} : memref<4x1256x128xi32, #tpu.memory_space<vmem>>, vector<1x1256x128xi32>,
    return
  }
}

module attributes {stable_mosaic.version = 14 : i64} {
  func.func @_final_body(%arg0: i32, %arg1: memref<2x2000x128xf32, #tpu.memory_space<vmem>>, %arg2: memref<2x2000x16xf32, #tpu.memory_space<vmem>>, %arg3: memref<2000x128xf32, #tpu.memory_space<vmem>>, %arg4: memref<256x128xf32, #tpu.memory_space<vmem>>, %arg5: memref<1x128xf32, #tpu.memory_space<vmem>>, %arg6: memref<2000x128xf32, #tpu.memory_space<vmem>>) attributes {dimension_semantics = [#tpu.dimension_semantics<arbitrary>], iteration_bounds = array<i64: 5>, scalar_prefetch = 0 : i64, scratch_operands = 0 : i64, tpu.core_type = #tpu.core_type<tc>, window_params = [{transform_indices = @transform_0, window_bounds = array<i64: 2, 2000, 128>}, {transform_indices = @transform_1, window_bounds = array<i64: 2, 2000, 16>}, {transform_indices = @transform_2, window_bounds = array<i64: 2000, 128>}, {pipeline_mode = #tpu.pipeline_mode<synchronous>, transform_indices = @transform_3, window_bounds = array<i64: 256, 128>}, {pipeline_mode = #tpu.pipeline_mode<synchronous>, transform_indices = @transform_4, window_bounds = array<i64: 1, 128>}, {transform_indices = @transform_5, window_bounds = array<i64: 2000, 128>}]} {
    %get3A = arith.constant 0 : index
    %get3A_0 = arith.constant 0 : index
    %get3A_1 = arith.constant 0 : index
    %get3A_2 = vector.load %arg1[%get3A, %get3A_0, %get3A_1] : memref<2x2000x128xf32, #tpu.memory_space<vmem>>, vector<1x2000x128xf32>
    %get3A_3 = vector.shape_cast %get3A_2 : vector<1x2000x128xf32> to vector<2000x128xf32>
    %get3A_4 = arith.constant 1 : index
    %get3A_5 = arith.constant 0 : index
    %get3A_6 = arith.constant 0 : index
    %get3A_7 = vector.load %arg1[%get3A_4, %get3A_5, %get3A_6] : memref<2x2000x128xf32, #tpu.memory_space<vmem>>, vector<1x2000x128xf32>
    %get3A_8 = vector.shape_cast %get3A_7 : vector<1x2000x128xf32> to vector<2000x128xf32>
    %add3A = arith.addf %get3A_3, %get3A_8 : vector<2000x128xf32>
    %get3A_9 = arith.constant 0 : index
    %get3A_10 = arith.constant 0 : index
    %get3A_11 = arith.constant 0 : index
    %get3A_12 = vector.load %arg2[%get3A_9, %get3A_10, %get3A_11] : memref<2x2000x16xf32, #tpu.memory_space<vmem>>, vector<1x2000x1xf32>
    %get3A_13 = vector.shape_cast %get3A_12 : vector<1x2000x1xf32> to vector<2000x1xf32>
    %get3A_14 = arith.constant 1 : index
    %get3A_15 = arith.constant 0 : index
    %get3A_16 = arith.constant 0 : index
    %get3A_17 = vector.load %arg2[%get3A_14, %get3A_15, %get3A_16] : memref<2x2000x16xf32, #tpu.memory_space<vmem>>, vector<1x2000x1xf32>
    %get3A_18 = vector.shape_cast %get3A_17 : vector<1x2000x1xf32> to vector<2000x1xf32>
    %add3A_19 = arith.addf %get3A_13, %get3A_18 : vector<2000x1xf32>
    %max3A = arith.constant 1.000000e+00 : f32
    %max3A_20 = vector.broadcast %max3A : f32 to vector<2000x1xf32>
    %max3A_21 = arith.maximumf %add3A_19, %max3A_20 : vector<2000x1xf32>
    %div3A = vector.broadcast %max3A_21 : vector<2000x1xf32> to vector<2000x128xf32>
    %div3A_22 = arith.divf %add3A, %div3A : vector<2000x128xf32>
    %get3A_23 = arith.constant 0 : index
    %get3A_24 = arith.constant 0 : index
    %get3A_25 = vector.load %arg3[%get3A_23, %get3A_24] : memref<2000x128xf32, #tpu.memory_space<vmem>>, vector<2000x128xf32>
    %get3A_26 = arith.constant 0 : index
    %get3A_27 = arith.constant 0 : index
    %get3A_28 = vector.load %arg4[%get3A_26, %get3A_27] : memref<256x128xf32, #tpu.memory_space<vmem>>, vector<128x128xf32>
    %dot_general3A = arith.constant dense<0.000000e+00> : vector<2000x128xf32>
    %dot_general3A_29 = tpu.matmul %get3A_25, %get3A_28, %dot_general3A {dimension_numbers = #tpu.dot_dimension_numbers<[1], [0], [0], [1], [0, 0, 1, 1], [], []>, transpose_lhs_hint = false} : vector<2000x128xf32>, vector<128x128xf32>, vector<2000x128xf32> -> vector<2000x128xf32>
    %get3A_30 = arith.constant 128 : index
    %get3A_31 = arith.constant 0 : index
    %get3A_32 = vector.load %arg4[%get3A_30, %get3A_31] : memref<256x128xf32, #tpu.memory_space<vmem>>, vector<128x128xf32>
    %dot_general3A_33 = arith.constant dense<0.000000e+00> : vector<2000x128xf32>
    %dot_general3A_34 = tpu.matmul %div3A_22, %get3A_32, %dot_general3A_33 {dimension_numbers = #tpu.dot_dimension_numbers<[1], [0], [0], [1], [0, 0, 1, 1], [], []>, transpose_lhs_hint = false} : vector<2000x128xf32>, vector<128x128xf32>, vector<2000x128xf32> -> vector<2000x128xf32>
    %add3A_35 = arith.addf %dot_general3A_29, %dot_general3A_34 : vector<2000x128xf32>
    %get3A_36 = arith.constant 0 : index
    %get3A_37 = arith.constant 0 : index
    %get3A_38 = vector.load %arg5[%get3A_36, %get3A_37] : memref<1x128xf32, #tpu.memory_space<vmem>>, vector<1x128xf32>
    %add3A_39 = vector.broadcast %get3A_38 : vector<1x128xf32> to vector<2000x128xf32>
    %add3A_40 = arith.addf %add3A_35, %add3A_39 : vector<2000x128xf32>
    %ge3A = arith.constant 0.000000e+00 : f32
    %ge3A_41 = vector.broadcast %ge3A : f32 to vector<2000x128xf32>
    %ge3A_42 = arith.cmpf oge, %add3A_40, %ge3A_41 : vector<2000x128xf32>
    %mul3A = arith.constant 0.00999999977 : f32
    %mul3A_43 = vector.broadcast %mul3A : f32 to vector<2000x128xf32>
    %mul3A_44 = arith.mulf %mul3A_43, %add3A_40 : vector<2000x128xf32>
    %select_n3A = arith.select %ge3A_42, %add3A_40, %mul3A_44 : vector<2000x128xi1>, vector<2000x128xf32>
    %swap3A = arith.constant 0 : index
    %swap3A_45 = arith.constant 0 : index
    %swap3A_46 = vector.load %arg6[%swap3A, %swap3A_45] : memref<2000x128xf32, #tpu.memory_space<vmem>>, vector<2000x128xf32>
    tpu.vector_store %arg6[%swap3A, %swap3A_45], %select_n3A {strides = array<i32>} : memref<2000x128xf32, #tpu.memory_space<vmem>>, vector<2000x128xf32>,
    return
  }
  func.func @transform_0(%arg0: i32) -> (i32, i32, i32) {
    %c0_i32 = arith.constant 0 : i32
    %c0_i32_0 = arith.constant 0 : i32
    %c0_i32_1 = arith.constant 0 : i32
    return %c0_i32, %arg0, %c0_i32_0 : i32, i32, i32
  }
  func.func @transform_1(%arg0: i32) -> (i32, i32, i32) {
    %c0_i32 = arith.constant 0 : i32
    %c0_i32_0 = arith.constant 0 : i32
    %c0_i32_1 = arith.constant 0 : i32
    return %c0_i32, %arg0, %c0_i32_0 : i32, i32, i32
  }
  func.func @transform_2(%arg0: i32) -> (i32, i32) {
    %c0_i32 = arith.constant 0 : i32
    %c0_i32_0 = arith.constant 0 : i32
    return %arg0, %c0_i32 : i32, i32
  }
  func.func @transform_3(%arg0: i32) -> (i32, i32) {
    %c0_i32 = arith.constant 0 : i32
    %c0_i32_0 = arith.constant 0 : i32
    %c0_i32_1 = arith.constant 0 : i32
    return %c0_i32, %c0_i32_0 : i32, i32
  }
  func.func @transform_4(%arg0: i32) -> (i32, i32) {
    %c0_i32 = arith.constant 0 : i32
    %c0_i32_0 = arith.constant 0 : i32
    %c0_i32_1 = arith.constant 0 : i32
    return %c0_i32, %c0_i32_0 : i32, i32
  }
  func.func @transform_5(%arg0: i32) -> (i32, i32) {
    %c0_i32 = arith.constant 0 : i32
    %c0_i32_0 = arith.constant 0 : i32
    return %arg0, %c0_i32 : i32, i32
  }
}

</mosaic_0001>

<sc_bundles>
// kernel: kernel.6.cloned.1.call-start
scs
__scs_entry_jumppad:
0x0: {  	(pc) =	sbr.rel $0x88, $3  }
0x1: {  	(tag) =	ssettag $0x0;
	lr =	simm.s32 $0x1  }
0x2: {  	[smem:$0x3F9B] =	sst lr;
	_ =	strace $0xD0000000  }
0x3: {  	_ = 	snop  }
0x4: {  	_ = 	snop  }
0x5: {  	_ = 	snop  }
0x6: {  	_ = 	snop  }
0x7: {  	_ = 	snop  }
__scs_overlays_trampoline_lowered:
0x8: {  	[smem:$0x3FAA] =	sst s0  }
0x9: {  	[smem:$0x3FAB] =	sst s1  }
0xa: {  	[smem:$0x3FAC] =	sst s2  }
0xb: {  	[smem:$0x3FAD] =	sst s3  }
0xc: {  	[smem:$0x3FAE] =	sst s4  }
0xd: {  	[smem:$0x3FAF] =	sst s5  }
0xe: {  	[smem:$0x3FB0] =	sst s6  }
0xf: {  	[smem:$0x3FB1] =	sst s7  }
0x10: {  	[smem:$0x3FB2] =	sst s8  }
0x11: {  	[smem:$0x3FB3] =	sst s9;
	s0 =	simm.s32 @!p0 $0x0  }
0x12: {  	s1 =	sld [smem:$0x3F99];
	s0 =	simm.s32 @p0 $0x1  }
0x13: {  	[smem:$0x3FB4] =	sst s0;
	s0 =	simm.s32 @!p1 $0x0  }
0x14: {  	s2 =	sld [smem:$0x3F98];
	s0 =	simm.s32 @p1 $0x1  }
0x15: {  	[smem:$0x3FB5] =	sst s0;
	s0 =	simm.s32 @!p2 $0x0  }
0x16: {  	s3 =	sld [smem:$0x3FDB];
	s0 =	simm.s32 @p2 $0x1  }
0x17: {  	s4 =	simm.s32 $0x1BF5;
	[smem:$0x3FB7] =	sst s0  }
0x18: {  	s0 =	sld [smem:$0x3F9A];
	_ =	swait.ge [sflag:s4], $0x0  }
0x19: {  	s7 =	sld [smem:$0x3F9B]  }
0x1a: {  	s8 =	sadd.s32 $0xFFFFE003, lr  }
0x1b: {  	s9 =	sadd.s32 $0xFFFFFEF7, lr;
	s5 =	simm.s32 $0xFFFFFFFF;
	p2 =	slt.u32 s8, $0xFFFFF086  }
0x1c: {  	p1 =	slt.u32 s9, $0xF7A;
	s5 =	simm.s32 @!p2 $0x0  }
0x1d: {  	s5 =	simm.s32 @p1 $0x1;
	p0 =	seq.s32 s7, s2  }
0x1e: {  	s7 =	smul.u32 @!p0 $0xF7A, s2;
	p2 =	seq.s32 @!p0 s5, $0x0  }
0x1f: {  	s9 =	smul.u32 $0xF7A, s1;
	s8 =	simm.s32 @!p0 $0x1BF5;
	p2 =	por !p2, p0  }
0x20: {  	[sflag:s8] =	ssyncset.s32 @!p0 $0xFFFFF086;
	s6 =	sadd.s32 @!p0 s3, s7;
	s7 =	simm.s32 @!p0 $0x108  }
0x21: {  	s3 =	sadd.s32 s3, s9;
	s6 =	sadd.s32 @!p0 $0x88, s6;
	s7 =	simm.s32 @p2 $0x1082  }
0x22: {  	[simem:s7], [sflag:s8] =	dma.local @!p0 [hbm:s6], $0xF7A  }
0x23: {  	s9 =	sor.u32 $0xD0000000, s2;
	s6 =	simm.s32 $0x108;
	_ =	swait.ge @!p0 [sflag:s8], $0x0  }
0x24: {  	s3 =	sadd.s32 $0x88, s3;
	s6 =	simm.s32 @!p1 $0x1082;
	[sflag:s4] =	ssyncset.s32 $0xFFFFF086  }
0x25: {  	[simem:s6], [sflag:s4] =	dma.local [hbm:s3], $0xF7A  }
0x26: {  	[smem:$0x3F9B] =	sst s1;
	(tag) =	ssettag s2;
	_ =	strace s9  }
0x27: {  	s1 =	sld [smem:$0x3FAB]  }
0x28: {  	s2 =	sld [smem:$0x3FAC]  }
0x29: {  	s4 =	sld [smem:$0x3FAE]  }
0x2a: {  	p0 =	seq.s32 s5, $0x0;
	s5 =	sld [smem:$0x3FAF]  }
0x2b: {  	s6 =	sld [smem:$0x3FB0]  }
0x2c: {  	s7 =	sld [smem:$0x3FB1]  }
0x2d: {  	s3 =	simm.s32 $0x108;
	s8 =	sld [smem:$0x3FB2]  }
0x2e: {  	s3 =	simm.s32 @!p0 $0x1082;
	s9 =	sld [smem:$0x3FB3]  }
0x2f: {  	lr =	sadd.s32 s0, s3;
	s0 =	sld [smem:$0x3FAA]  }
0x30: {  	s3 =	sld [smem:$0x3FAD]  }
0x31: {  	[smem:$0x3FB6] =	sst s10  }
0x32: {  	s10 =	sld [smem:$0x3FB4];
	_ =	sdelay $0x3  }
0x33: {  	p0 =	seq.s32 s10, $0x1;
	s10 =	sld [smem:$0x3FB6];
	_ =	sdelay $0x3  }
0x34: {  	[smem:$0x3FB6] =	sst s10  }
0x35: {  	s10 =	sld [smem:$0x3FB5];
	_ =	sdelay $0x3  }
0x36: {  	p1 =	seq.s32 s10, $0x1;
	s10 =	sld [smem:$0x3FB6];
	_ =	sdelay $0x3  }
0x37: {  	[smem:$0x3FB6] =	sst s10  }
0x38: {  	s10 =	sld [smem:$0x3FB7]  }
0x39: {  	_ = 	snop;
	(pc) =	sbr.ind lr, $3  }
0x3a: {  	_ = 	snop  }
0x3b: {  	_ = 	snop  }
0x3c: {  	p2 =	seq.s32 s10, $0x1;
	s10 =	sld [smem:$0x3FB6]  }
0x3d: {  	_ =	shalt  }
0x3e: {  	_ =	shalt  }
0x3f: {  	_ =	shalt  }
0x40: {  	_ =	shalt  }
0x41: {  	_ =	shalt  }
0x42: {  	_ =	shalt  }
0x43: {  	_ =	shalt  }
0x44: {  	_ =	shalt  }
0x45: {  	_ =	shalt  }
0x46: {  	_ =	shalt  }
0x47: {  	_ =	shalt  }
0x48: {  	_ =	shalt  }
0x49: {  	_ =	shalt  }
0x4a: {  	_ =	shalt  }
0x4b: {  	_ =	shalt  }
0x4c: {  	_ =	shalt  }
0x4d: {  	_ =	shalt  }
0x4e: {  	_ =	shalt  }
0x4f: {  	_ =	shalt  }
0x50: {  	_ =	shalt  }
0x51: {  	_ =	shalt  }
0x52: {  	_ =	shalt  }
0x53: {  	_ =	shalt  }
0x54: {  	_ =	shalt  }
0x55: {  	_ =	shalt  }
0x56: {  	_ =	shalt  }
0x57: {  	_ =	shalt  }
0x58: {  	_ =	shalt  }
0x59: {  	_ =	shalt  }
0x5a: {  	_ =	shalt  }
0x5b: {  	_ =	shalt  }
0x5c: {  	_ =	shalt  }
0x5d: {  	_ =	shalt  }
0x5e: {  	_ =	shalt  }
0x5f: {  	_ =	shalt  }
0x60: {  	_ =	shalt  }
0x61: {  	_ =	shalt  }
0x62: {  	_ =	shalt  }
0x63: {  	_ =	shalt  }
0x64: {  	_ =	shalt  }
0x65: {  	_ =	shalt  }
0x66: {  	_ =	shalt  }
0x67: {  	_ =	shalt  }
0x68: {  	_ =	shalt  }
0x69: {  	_ =	shalt  }
0x6a: {  	_ =	shalt  }
0x6b: {  	_ =	shalt  }
0x6c: {  	_ =	shalt  }
0x6d: {  	_ =	shalt  }
0x6e: {  	_ =	shalt  }
0x6f: {  	_ =	shalt  }
0x70: {  	_ =	shalt  }
0x71: {  	_ =	shalt  }
0x72: {  	_ =	shalt  }
0x73: {  	_ =	shalt  }
0x74: {  	_ =	shalt  }
0x75: {  	_ =	shalt  }
0x76: {  	_ =	shalt  }
0x77: {  	_ =	shalt  }
0x78: {  	_ =	shalt  }
0x79: {  	_ =	shalt  }
0x7a: {  	_ =	shalt  }
0x7b: {  	_ =	shalt  }
0x7c: {  	_ =	shalt  }
0x7d: {  	_ =	shalt  }
0x7e: {  	_ =	shalt  }
0x7f: {  	_ =	shalt  }
0x80: {  	_ =	shalt  }
0x81: {  	_ =	shalt  }
0x82: {  	_ =	shalt  }
0x83: {  	_ =	shalt  }
0x84: {  	_ =	shalt  }
0x85: {  	_ =	shalt  }
0x86: {  	_ =	shalt  }
0x87: {  	_ =	shalt  }
.Lfunc_end0:
.L_simem_size_0:
called_computation_lowered:
.L_overlay_start_0:
0x88: {  	s2 =	sld [smem:$0x3FD9]  }
0x89: {  	s3 =	sld [smem:$0x3FFE];
	_ =	sdelay $0x1  }
0x8a: {  	s1 =	srdreg.scid  }
0x8b: {  	s0 =	sand.u32 $0x1, s1  }
0x8c: {  	s17 =	sshll.u32 s0, $0xA;
	s2 =	sadd.s32 s3, s2  }
0x8d: {  	s2 =	sadd.s32 s2, s17  }
0x8e: {  	[smem:$0x3FC2] =	sst s2  }
0x8f: {  	_ = 	snop  }
0x90: {  	s2 =	sld [smem:$0x3FC9]  }
0x91: {  	s18 =	sld [smem:$0x3FD0];
	(tm) =	ssettm $0x1  }
0x92: {  	s4 =	sld [smem:$0x3FFB];
	_ =	sdelay $0x3  }
0x93: {  	_ =	strace s4  }
0x94: {  	s4 =	sld [smem:$0x3FFC];
	_ =	sdelay $0x3  }
0x95: {  	_ =	strace s4  }
0x96: {  	s4 =	sld [smem:$0x3FFD];
	_ =	sdelay $0x3  }
0x97: {  	_ =	strace s4  }
0x98: {  	_ =	strace $0x8FFFFFFF  }
0x99: {  	s19 =	sld [smem:$0x3FDB];
	_ =	sdelay $0x1  }
0x9a: {  	s5 =	simm.s32 $_scs_section_size  }
0x9b: {  	s6 =	simm.s32 $_size__tile_overlayer_lowered;
	s7 =	simm.s32 $_tile_overlayer_lowered  }
0x9c: {  	s22 =	simm.s32 $0x1BFF;
	s21 =	sshll.u32 s7, $0x1;
	s4 =	sadd.s32 s5, s19  }
0x9d: {  	s8 =	simm.s32 $0x0;
	s20 =	sshll.u32 s6, $0x1;
	s6 =	sadd.s32 s21, s4  }
0x9e: {  	[timem:s8], [sflag:s22] =	dma.local [hbm:s6], s20  }
0x9f: {  	_ =	swait.ge [sflag:s22], s20  }
0xa0: {  	s5 =	ssub.s32 $0x0, s20;
	[sflag:s22] =	ssyncset.done $0x0  }
0xa1: {  	[sflag:s22] =	ssyncadd.s32 s5;
	_ =	sdelay $0x1  }
0xa2: {  	s23 =	simm.s32 $0x1B8B  }
0xa3: {  	_ =	swait.ge [sflag:s23], $0x1  }
0xa4: {  	[sflag:s23] =	ssyncset.done $0x0  }
0xa5: {  	s25 =	simm.s32 $0x1B8E;
	s24 =	sld [smem:$0x3FFE];
	[sflag:s23] =	ssyncadd.s32 $0xFFFFFFFF  }
0xa6: {  	s26 =	simm.s32 $execute0_lowered;
	[smem:$0x3FD2] =	sst s25  }
0xa7: {  	s6 =	sshll.u32 s26, $0x1;
	_ =	strace $0x80000046;
	[dreg:$0x1] =	wrdreg $0xFFFFFFFF  }
0xa8: {  	s28 =	simm.s32 $_size_execute0_lowered;
	s4 =	sadd.s32 s4, s6;
	[dreg:$0x0] =	wrdreg $0x0  }
0xa9: {  	s6 =	sshll.u32 s28, $0x1;
	[dreg:$0x2] =	wrdreg s4  }
0xaa: {  	[dreg:$0x3] =	wrdreg s6  }
0xab: {  	[dreg:$0x4] =	wrdreg $0xC0  }
0xac: {  	_ =	task [dreg:s8], $0x5FFFF  }
0xad: {  	[dreg:$0x1] =	wrdreg $0xFFFFFFFF  }
0xae: {  	[dreg:$0x0] =	wrdreg $0x60  }
0xaf: {  	[dreg:$0x2] =	wrdreg s24  }
0xb0: {  	[dreg:$0x3] =	wrdreg s2  }
0xb1: {  	[dreg:$0x4] =	wrdreg s18  }
0xb2: {  	[dreg:$0x5] =	wrdreg $0x0  }
0xb3: {  	[dreg:$0x6] =	wrdreg $0x139000  }
0xb4: {  	[dreg:$0x7] =	wrdreg $0x9  }
0xb5: {  	_ =	task.clear_ibuf [dreg:s8], $0x8FFFF;
	_ =	strace $0x90000046  }
0xb6: {  	s29 =	simm.s32 $0x9;
	_ =	strace $0x80000048  }
0xb7: {  	_ =	swait.ge [sflag:s29], $0x1  }
0xb8: {  	[sflag:s29] =	ssyncadd.s32 $0xFFFFFFFF  }
0xb9: {  	_ =	strace $0x90000048  }
0xba: {  	_ =	sfence  }
0xbb: {  	s30 =	sld [smem:$0x0];
	_ =	sdelay $0x2  }
0xbc: {  	s31 =	sshll.u32 s1, $0xD;
	s1 =	sshrl.u32 s1, $0x2  }
0xbd: {  	s3 =	sand.u32 $0x4000, s31;
	s1 =	sadd.s32 s1, s30  }
0xbe: {  	s0 =	sor.u32 s3, s0;
	s1 =	sshll.u32 s1, $0x11  }
0xbf: {  	s0 =	sor.u32 s1, s0  }
0xc0: {  	s0 =	sadd.s32 $0x8F2B, s0  }
0xc1: {  	[sflag:s0] =	ssyncadd.remote.s32 $0x1  }
0xc2: {  	_ =	sfence.sel $0xFFFF  }
0xc3: {  	[dreg:$0x0] =	wrdreg $0xFFFFFFFF;
	(pc) =	sbr.abs _section_cstart, $3  }
0xc4: {  	[dreg:$0x1] =	wrdreg $0xFFFFFFFF  }
0xc5: {  	_ =	task.clear_ibuf [dreg:s8], $0x2FFFF;
	_ =	strace $0x9FFFFFFF  }
0xc6: {  	(tm) =	ssettm $0x7FFFFFFF  }
0xc7: {  	_ =	shalt  }
tec
execute0_lowered:
.L_overlay_start_1:
0x0: {  	(tag) =	ssettag $0x1  }
0x1: {  	s0 =	rddreg [dreg:$0x0]  }
0x2: {  	s1 =	rddreg [dreg:$0x1]  }
0x3: {  	s2 =	rddreg [dreg:$0x2]  }
0x4: {  	s4 =	rddreg [dreg:$0x3]  }
0x5: {  	s15 =	stileid.u32;
	s3 =	srdreg.scid  }
0x6: {  	s5 =	rddreg [dreg:$0x4];
	s7 =	simm.s32 $0x0;
	s6 =	simm.s32 $0x0  }
0x7: {  	s17 =	simm.s32 $0x3;
	s19 =	simm.s32 $0x1;
	s28 =	simm.s32 $0x18120  }
0x8: {  	s29 =	simm.s32 $0x16060;
	s30 =	simm.s32 $0x1A120;
	s31 =	simm.s32 $0x16080  }
0x9: {  	s8 =	smul.u32 $0x13900, s15;
	s3 =	sand.u32 $0x1, s3;
	[dreg:$0xc] =	wrdreg s6  }
0xa: {  	[smem:$0x7FF] =	sst s7;
	s10 =	smul.u32 $0x2720, s15;
	s7 =	sadd.s32 $0x1600, s0  }
0xb: {  	s22 =	sshll.u32 s15, $0x6;
	s23 =	sshll.u32 s15, $0x3;
	s9 =	smul.u32 $0x139000, s3  }
0xc: {  	_ =	strace $0x80000047;
	s12 =	smul.u32 $0x27200, s3;
	s13 =	ssub.s32 $0x2, s3  }
0xd: {  	s3 =	sshll.u32 s3, $0x2;
	s6 =	sor.u32 $0x1C03, s22;
	s22 =	simm.s32 $0x20  }
0xe: {  	s11 =	sshrl.u32 s8, $0x3;
	s21 =	sshrl.u32 s13, $0x1;
	s3 =	sor.u32 s3, s23  }
0xf: {  	s23 =	simm.s32 $0x27400;
	s11 =	sadd.s32 s11, s0;
	s9 =	sadd.s32 s8, s9  }
0x10: {  	s12 =	sadd.s32 s10, s12;
	s8 =	sadd.s32 s8, s4;
	s10 =	sadd.s32 s10, s5  }
0x11: {  	s24 =	sadd.s32 s2, s3;
	s9 =	sshrl.u32 s9, $0x3;
	s20 =	sshrl.u32 s12, $0x3  }
0x12: {  	s12 =	ssub.s32 s13, s21;
	s11 =	sadd.s32 $0x139E00, s11;
	[dreg:$0x7] =	wrdreg s24  }
0x13: {  	s24 =	simm.s32 $0x16020;
	s21 =	simm.s32 $0x1E120;
	s14 =	sadd.s32 s9, s0  }
0x14: {  	s0 =	sadd.s32 s20, s0;
	[dreg:$0x6] =	wrdreg s11;
	s26 =	smax.u32 s12, $0x1  }
0x15: {  	s12 =	sshrl.u32 s8, $0x3;
	s9 =	sshrl.u32 s10, $0x3;
	s20 =	simm.s32 $0x2  }
.Ltmp0:
0x16: {  	s10 =	simm.s32 $0x16100;
	[dreg:$0xa] =	wrdreg s26;
	(pc) =	sbr.rel .LBB2_1-.Ltmp0, $4  }
0x17: {  	s11 =	simm.s32 $0x1D120;
	s25 =	sadd.s32 $0x16AE00, s14;
	[dreg:$0xb] =	wrdreg s12  }
0x18: {  	s0 =	sadd.s32 $0x161000, s0;
	s14 =	sor.u32 $0x80, s3;
	[dreg:$0x8] =	wrdreg s25  }
0x19: {  	v0 =	vimm.f32 $0.0e+00;
	vm0 =	vcmask $0x300;
	s26 =	simm.s32 $0x16040;
	s3 =	simm.s32 $0x1C120;
	[dreg:$0x9] =	wrdreg s0  }
0x1a: {  	v0 =	vsel vm0, $0x3F800000, v0;
	s15 =	sadd.s32 s2, s14;
	s25 =	simm.s32 $0x16120;
	s0 =	simm.s32 $0x5  }
.LBB2_10:
0x1b: {  	[bflag:$0x0] =	sbarrier.arrive $0xFFFF  }
0x1c: {  	s8 =	rddreg [dreg:$0x8]  }
0x1d: {  	s12 =	rddreg [dreg:$0xb]  }
0x1e: {  	[hbm:s8], [sflag:s6] =	dma.local [spmem:s12], $0x2720  }
0x1f: {  	_ =	swait.ge [sflag:s17], $0x2720  }
0x20: {  	[sflag:s17] =	ssyncset.done $0x0  }
0x21: {  	s16 =	rddreg [dreg:$0x9];
	[sflag:s17] =	ssyncadd.s32 $0xFFFFD8E0  }
0x22: {  	[hbm:s16], [sflag:s6] =	dma.local [spmem:s9], $0x4E4  }
0x23: {  	_ =	swait.ge [sflag:s17], $0x4E4  }
0x24: {  	s13 =	rddreg [dreg:$0xc]  }
0x25: {  	s18 =	rddreg [dreg:$0xa];
	s13 =	sadd.s32 $0x1, s13  }
0x26: {  	p0 =	sne.s32 s13, s18  }
.Ltmp1:
0x27: {  	_ = 	snop;
	(pc) =	sbr.rel @!p0 .LBB2_11-.Ltmp1, $3  }
0x28: {  	_ =	sdelay $0x1  }
0x29: {  	[sflag:s17] =	ssyncset.done $0x0  }
0x2a: {  	[sflag:s17] =	ssyncadd.s32 $0xFFFFFB1C;
	[dreg:$0xc] =	wrdreg s13  }
.LBB2_1:
0x2b: {  	s8 =	rddreg [dreg:$0x6]  }
0x2c: {  	[spmem:s12], [sflag:s6] =	dma.local [hbm:s8], $0x2720  }
0x2d: {  	_ =	swait.ge [sflag:s17], $0x2720  }
0x2e: {  	[sflag:s17] =	ssyncset.done $0x0  }
0x2f: {  	s16 =	simm.s32 $0x10;
	[sflag:s17] =	ssyncadd.s32 $0xFFFFD8E0  }
0x30: {  	[spmem:s9@s20], [sflag:s6] =	dma.strided [hbm:s8@s16], $0x4E4, s19, $0x2   }
0x31: {  	_ =	swait.ge [sflag:s17], $0x4E4  }
0x32: {  	[sflag:s17] =	ssyncset.done $0x0  }
0x33: {  	[sflag:s17] =	ssyncadd.s32 $0xFFFFFB1C  }
0x34: {  	[tilespmem:$0x1E120] =	vst v0  }
0x35: {  	[tilespmem:$0x1E130] =	vst v0  }
0x36: {  	[tilespmem:$0x1E140] =	vst v0  }
0x37: {  	[tilespmem:$0x1E150] =	vst v0  }
0x38: {  	[tilespmem:$0x1E160] =	vst v0  }
0x39: {  	[tilespmem:$0x1E170] =	vst v0  }
0x3a: {  	[tilespmem:$0x1E180] =	vst v0  }
0x3b: {  	[tilespmem:$0x1E190] =	vst v0  }
0x3c: {  	[tilespmem:$0x1E1A0] =	vst v0  }
0x3d: {  	[tilespmem:$0x1E1B0] =	vst v0  }
0x3e: {  	[tilespmem:$0x1E1C0] =	vst v0  }
0x3f: {  	[tilespmem:$0x1E1D0] =	vst v0  }
0x40: {  	[tilespmem:$0x1E1E0] =	vst v0  }
0x41: {  	[tilespmem:$0x1E1F0] =	vst v0  }
0x42: {  	[tilespmem:$0x1E200] =	vst v0  }
0x43: {  	[tilespmem:$0x1E210] =	vst v0  }
0x44: {  	[tilespmem:$0x1E220] =	vst v0  }
0x45: {  	[tilespmem:$0x1E230] =	vst v0  }
0x46: {  	[tilespmem:$0x1E240] =	vst v0  }
0x47: {  	[tilespmem:$0x1E250] =	vst v0  }
0x48: {  	[tilespmem:$0x1E260] =	vst v0  }
0x49: {  	[tilespmem:$0x1E270] =	vst v0  }
0x4a: {  	[tilespmem:$0x1E280] =	vst v0  }
0x4b: {  	[tilespmem:$0x1E290] =	vst v0  }
0x4c: {  	[tilespmem:$0x1E2A0] =	vst v0  }
0x4d: {  	[tilespmem:$0x1E2B0] =	vst v0  }
0x4e: {  	[tilespmem:$0x1E2C0] =	vst v0  }
0x4f: {  	[tilespmem:$0x1E2D0] =	vst v0  }
0x50: {  	[tilespmem:$0x1E2E0] =	vst v0  }
0x51: {  	[tilespmem:$0x1E2F0] =	vst v0  }
0x52: {  	[tilespmem:$0x1E300] =	vst v0  }
0x53: {  	[tilespmem:$0x1E310] =	vst v0  }
0x54: {  	[bflag:$0x0] =	sbarrier.arrive $0xFFFF  }
0x55: {  	s18 =	rddreg [dreg:$0x7]  }
0x56: {  	[tilespmem:s24], [sflag:$0x3] =	stream.strided.gather [hbm4b:s18+s22], $0x80, s23, s22, $0x38;
	[tilespmem:$0x1E320] =	vst v63  }
0x57: {  	_ =	swait.ge [sflag:s17], $0x80  }
0x58: {  	[sflag:s17] =	ssyncset.done $0x0  }
0x59: {  	[sflag:s17] =	ssyncadd.s32 $0xFFFFFF80  }
0x5a: {  	[tilespmem:s25], [sflag:$0x1] =	stream.indirect.gather [hbm4b:s7+s22], $0x80, s24, s22, $0xb8;
	[tilespmem:$0x1E320] =	vst v63  }
.Ltmp2:
0x5b: {  	_ = 	snop;
	(pc) =	sbr.rel .LBB2_2-.Ltmp2, $4  }
0x5c: {  	_ = 	snop  }
0x5d: {  	[tilespmem:s28], [sflag:$0x1] =	stream.indirect.gather [hbm4b:s7+s22], $0x80, s26, s22, $0xb8;
	[tilespmem:$0x1E320] =	vst v63  }
0x5e: {  	s12 =	simm.s32 $0x0  }
0x5f: {  	[tilespmem:s30], [sflag:$0x1] =	stream.indirect.gather [hbm4b:s1+s22], $0x80, s29, s22, $0xb8;
	[tilespmem:$0x1E320] =	vst v63  }
.LBB2_8:
0x60: {  	v16 =	vld [tilespmem:s16+$0x19190];
	v18 =	vpop (erf)  }
0x61: {  	v17 =	vld [tilespmem:s16+$0x17120];
	[tilespmem:s13+$0x1D160] =	vst v15;
	v4 =	vmul.f32 v18, v4  }
0x62: {  	v15 =	vld [tilespmem:s16+$0x19120]  }
0x63: {  	v38 =	vld [tilespmem:s16+$0x17130];
	[tilespmem:s13+$0x1D170] =	vst v4  }
0x64: {  	v39 =	vmul.f32 $1.442695020e+00, v13;
	(erf) = vpow2.f32 v12;
	v40 =	vld [tilespmem:s8+$0x1B190]  }
0x65: {  	(erf) = vrcp.f32 v14;
	v41 =	vpop (erf);
	v42 =	vld [tilespmem:s16+$0x19130]  }
0x66: {  	(erf) = vpow2.f32 v39;
	v43 =	vadd.f32 $1.000000000e+00, v41;
	v44 =	vpop (erf);
	v45 =	vld [tilespmem:s16+$0x17140];
	v11 =	vadd.f32 v16, v11  }
0x67: {  	(erf) = vrcp.f32 v10;
	v46 =	vadd.f32 $1.000000000e+00, v44;
	v47 =	vpop (erf);
	v19 =	vld [tilespmem:s16+$0x19140]  }
0x68: {  	(erf) = vrcp.f32 v43;
	v49 =	vpop (erf);
	v50 =	vld [tilespmem:s16+$0x17150];
	v48 =	vadd.f32 v15, v17;
	v11 =	vsub.f32 $0.0e+00, v11  }
0x69: {  	v51 =	vadd.f32 $1.000000000e+00, v47;
	v20 =	vld [tilespmem:s16+$0x19150];
	(erf) = vrcp.f32 v46;
	v52 =	vpop (erf)  }
0x6a: {  	v53 =	vld [tilespmem:s16+$0x17160];
	v4 =	vsub.f32 $0.0e+00, v48;
	v11 =	vmul.f32 $1.442695020e+00, v11;
	v12 =	vmul.f32 v52, v40  }
0x6b: {  	v54 =	vld [tilespmem:s16+$0x19160];
	v15 =	vadd.f32 $1.000000000e+00, v49;
	(erf) = vrcp.f32 v51  }
0x6c: {  	v4 =	vmul.f32 $1.442695020e+00, v4;
	(erf) = vpow2.f32 v11;
	[tilespmem:s8+$0x1D190] =	vst v12  }
0x6d: {  	v55 =	vadd.f32 v42, v38;
	v12 =	vld [tilespmem:s16+$0x17170];
	(erf) = vrcp.f32 v15  }
0x6e: {  	v56 =	vpop (erf);
	v57 =	vadd.f32 v19, v45;
	v58 =	vld [tilespmem:s16+$0x19170];
	(erf) = vpow2.f32 v4  }
0x6f: {  	v17 =	vadd.f32 v20, v50;
	v60 =	vpop (erf);
	v11 =	vsub.f32 $0.0e+00, v55;
	v61 =	vld [tilespmem:s16+$0x17180]  }
0x70: {  	v10 =	vadd.f32 v54, v53;
	v59 =	vadd.f32 $1.000000000e+00, v56;
	v62 =	vpop (erf);
	v63 =	vld [tilespmem:s16+$0x19180]  }
0x71: {  	v6 =	vmul.f32 v60, v6;
	v15 =	vsub.f32 $0.0e+00, v57;
	v21 =	vpop (erf);
	v11 =	vmul.f32 $1.442695020e+00, v11  }
0x72: {  	v26 =	vsub.f32 $0.0e+00, v17;
	v10 =	vsub.f32 $0.0e+00, v10;
	v24 =	vpop (erf);
	(erf) = vrcp.f32 v59  }
0x73: {  	v25 =	vmul.f32 $1.442695020e+00, v15;
	v27 =	vpop (erf);
	(erf) = vpow2.f32 v11;
	v28 =	vadd.f32 v58, v12  }
0x74: {  	v29 =	vmul.f32 $1.442695020e+00, v26;
	v10 =	vmul.f32 $1.442695020e+00, v10;
	v30 =	vpop (erf)  }
0x75: {  	(erf) = vpow2.f32 v25;
	v31 =	vadd.f32 v63, v61;
	v11 =	vsub.f32 $0.0e+00, v28;
	v32 =	vpop (erf)  }
0x76: {  	v5 =	vmul.f32 v24, v5;
	(erf) = vpow2.f32 v29;
	v33 =	vadd.f32 $1.000000000e+00, v32;
	v34 =	vpop (erf)  }
0x77: {  	[tilespmem:s8+$0x1D120] =	vst v6;
	v14 =	vsub.f32 $0.0e+00, v31;
	v11 =	vmul.f32 $1.442695020e+00, v11;
	v36 =	vpop (erf);
	(erf) = vpow2.f32 v10  }
0x78: {  	v35 =	vld [tilespmem:s16+$0x1B120];
	v3 =	vmul.f32 v27, v3;
	v16 =	vadd.f32 $1.000000000e+00, v36;
	(erf) = vrcp.f32 v33  }
0x79: {  	v37 =	vld [tilespmem:s16+$0x1B130];
	[tilespmem:s8+$0x1D130] =	vst v5;
	v38 =	vmul.f32 $1.442695020e+00, v14;
	(erf) = vpow2.f32 v11  }
0x7a: {  	v39 =	vld [tilespmem:s16+$0x1B140];
	(erf) = vrcp.f32 v16  }
0x7b: {  	v1 =	vmul.f32 v21, v1;
	v40 =	vld [tilespmem:s16+$0x1B150];
	[tilespmem:s8+$0x1D140] =	vst v3;
	v41 =	vpop (erf);
	(erf) = vpow2.f32 v38  }
0x7c: {  	v43 =	vadd.f32 $1.000000000e+00, v62;
	v3 =	vld [tilespmem:s16+$0x1B160];
	v42 =	vpop (erf)  }
0x7d: {  	v4 =	vmul.f32 v30, v7;
	v44 =	vld [tilespmem:s16+$0x1B170];
	[tilespmem:s13+$0x1D180] =	vst v1;
	v1 =	vadd.f32 $1.000000000e+00, v42  }
0x7e: {  	v8 =	vmul.f32 v34, v8;
	v45 =	vpop (erf);
	(erf) = vrcp.f32 v43  }
0x7f: {  	v47 =	vld [tilespmem:s16+$0x1B180];
	[tilespmem:s8+$0x1D150] =	vst v4;
	v50 =	vmul.f32 v41, v9;
	v46 =	vpop (erf);
	(erf) = vrcp.f32 v1  }
0x80: {  	[tilespmem:s8+$0x1D160] =	vst v8;
	v48 =	vadd.f32 $1.000000000e+00, v45;
	v49 =	vpop (erf)  }
0x81: {  	[tilespmem:s8+$0x1D170] =	vst v50;
	v1 =	vpop (erf)  }
0x82: {  	v51 =	vadd.f32 $1.000000000e+00, v46;
	v55 =	vld [tilespmem:s16+$0x1B190];
	(erf) = vrcp.f32 v48;
	v52 =	vpop (erf)  }
0x83: {  	v53 =	vadd.f32 $1.000000000e+00, v49;
	v54 =	vpop (erf)  }
0x84: {  	(erf) = vrcp.f32 v51;
	v7 =	vadd.f32 $1.000000000e+00, v52;
	v56 =	vpop (erf)  }
0x85: {  	(erf) = vrcp.f32 v53;
	v57 =	vadd.f32 $1.000000000e+00, v56  }
0x86: {  	(erf) = vrcp.f32 v7  }
0x87: {  	v1 =	vmul.f32 v1, v55;
	v58 =	vpop (erf);
	(erf) = vrcp.f32 v57  }
0x88: {  	v60 =	vpop (erf)  }
0x89: {  	[tilespmem:s16+$0x1D190] =	vst v1;
	v1 =	vmul.f32 v60, v37  }
0x8a: {  	v59 =	vmul.f32 v54, v35  }
0x8b: {  	v61 =	vpop (erf)  }
0x8c: {  	[tilespmem:s16+$0x1D120] =	vst v59;
	v62 =	vmul.f32 v61, v39  }
0x8d: {  	v2 =	vmul.f32 v58, v2;
	[tilespmem:s16+$0x1D130] =	vst v1;
	v1 =	vpop (erf)  }
0x8e: {  	[tilespmem:s16+$0x1D140] =	vst v62;
	v1 =	vmul.f32 v1, v40;
	v63 =	vpop (erf)  }
0x8f: {  	[tilespmem:s8+$0x1D180] =	vst v2;
	v2 =	vmul.f32 v63, v3;
	v3 =	vpop (erf)  }
0x90: {  	[tilespmem:s16+$0x1D150] =	vst v1;
	v1 =	vmul.f32 v3, v44;
	v3 =	vpop (erf)  }
0x91: {  	[tilespmem:s16+$0x1D160] =	vst v2;
	v2 =	vmul.f32 v3, v47  }
0x92: {  	[tilespmem:s16+$0x1D170] =	vst v1  }
0x93: {  	[tilespmem:s16+$0x1D180] =	vst v2  }
0x94: {  	[spmem:s4] =	stream.indirect.scatter.add.f32 [tilespmem:s11], [sflag:$0x5], $0x80, s10, s22, $0xb8;
	[tilespmem:$0x1E320] =	vst v63  }
0x95: {  	_ =	swait.ge [sflag:s0], $0x1000  }
0x96: {  	[sflag:s0] =	ssyncset.done $0x0  }
0x97: {  	s8 =	simm.s32 $0x4;
	[sflag:s0] =	ssyncadd.s32 $0xFFFFF000  }
0x98: {  	[spmem:s5] =	stream.indirect.scatter.add.f32 [tilespmem:s21], [sflag:$0x4], $0x10, s10, s22, $0xb8;
	[tilespmem:$0x1E320] =	vst v63  }
.LBB2_9:
0x99: {  	s12 =	sadd.s32 $0x1, s12  }
0x9a: {  	p0 =	sne.s32 s12, $0x9D  }
.Ltmp3:
0x9b: {  	_ = 	snop;
	(pc) =	sbr.rel @!p0 .LBB2_10-.Ltmp3, $4  }
0x9c: {  	_ = 	snop  }
0x9d: {  	_ =	swait.ge [sflag:s8], $0x200  }
0x9e: {  	[sflag:s8] =	ssyncset.done $0x0  }
0x9f: {  	[sflag:s8] =	ssyncadd.s32 $0xFFFFFE00  }
.LBB2_2:
0xa0: {  	s8 =	sand.u32 $0x1, s12  }
0xa1: {  	p0 =	seq.s32 s8, $0x1  }
.Ltmp4:
0xa2: {  	_ = 	snop;
	(pc) =	sbr.rel @p0 .LBB2_6-.Ltmp4, $1  }
0xa3: {  	_ =	sdelay $0x3  }
0xa4: {  	p0 =	seq.s32 s12, $0x9C  }
0xa5: {  	s8 =	sshll.u32 @!p0 s12, $0x7  }
0xa6: {  	s13 =	simm.s32 @!p0 $0x20;
	s8 =	sor.u32 @!p0 s14, s8  }
0xa7: {  	s16 =	simm.s32 @!p0 $0x27400;
	s18 =	simm.s32 @!p0 $0x160A0;
	s8 =	sadd.s32 @!p0 s2, s8  }
0xa8: {  	[tilespmem:s18], [sflag:$0x5] =	stream.strided.gather @!p0 [hbm4b:s8+s13], $0x80, s16, s13, $0x38;
	[tilespmem:$0x1E320] =	vst v63  }
0xa9: {  	s8 =	simm.s32 @!p0 $0x5  }
0xaa: {  	_ =	swait.ge @!p0 [sflag:s8], $0x80  }
0xab: {  	[sflag:s8] =	ssyncset.done @!p0 $0x0  }
0xac: {  	[sflag:s8] =	ssyncadd.s32 @!p0 $0xFFFFFF80;
	s8 =	simm.s32 @!p0 $0x17120  }
0xad: {  	[tilespmem:s8], [sflag:$0x2] =	stream.indirect.gather @!p0 [hbm4b:s7+s13], $0x80, s18, s13, $0xb8;
	[tilespmem:$0x1E320] =	vst v63  }
0xae: {  	s16 =	simm.s32 @!p0 $0x19120;
	s8 =	simm.s32 @!p0 $0x160C0  }
0xaf: {  	[tilespmem:s16], [sflag:$0x2] =	stream.indirect.gather @!p0 [hbm4b:s7+s13], $0x80, s8, s13, $0xb8;
	[tilespmem:$0x1E320] =	vst v63  }
0xb0: {  	s8 =	simm.s32 @!p0 $0x160E0;
	s16 =	simm.s32 @!p0 $0x1B120  }
0xb1: {  	[tilespmem:s16], [sflag:$0x2] =	stream.indirect.gather @!p0 [hbm4b:s1+s13], $0x80, s8, s13, $0xb8;
	[tilespmem:$0x1E320] =	vst v63  }
0xb2: {  	_ =	swait.ge [sflag:s19], $0x1000  }
0xb3: {  	[sflag:s19] =	ssyncset.done $0x0  }
0xb4: {  	[sflag:s19] =	ssyncadd.s32 $0xFFFFF000  }
0xb5: {  	_ =	swait.ge [sflag:s19], $0x1000  }
0xb6: {  	[sflag:s19] =	ssyncset.done $0x0  }
0xb7: {  	[sflag:s19] =	ssyncadd.s32 $0xFFFFF000  }
0xb8: {  	_ =	swait.ge [sflag:s19], $0x1000  }
0xb9: {  	[sflag:s19] =	ssyncset.done $0x0  }
0xba: {  	s13 =	simm.s32 $0x0;
	[sflag:s19] =	ssyncadd.s32 $0xFFFFF000  }
0xbb: {  	v1 =	vld [tilespmem:s13+$0x16190]  }
0xbc: {  	v2 =	vld [tilespmem:s13+$0x18190]  }
0xbd: {  	v3 =	vld [tilespmem:s13+$0x16120]  }
0xbe: {  	v4 =	vld [tilespmem:s13+$0x18120];
	_ =	sdelay $0x1  }
0xbf: {  	v5 =	vld [tilespmem:s13+$0x16130]  }
0xc0: {  	v6 =	vld [tilespmem:s13+$0x18130]  }
0xc1: {  	v7 =	vld [tilespmem:s13+$0x18140];
	v1 =	vadd.f32 v2, v1  }
0xc2: {  	v8 =	vld [tilespmem:s13+$0x16150];
	v3 =	vadd.f32 v4, v3  }
0xc3: {  	v10 =	vld [tilespmem:s13+$0x16160];
	v1 =	vsub.f32 $0.0e+00, v1  }
0xc4: {  	v2 =	vld [tilespmem:s13+$0x16140];
	v3 =	vsub.f32 $0.0e+00, v3  }
0xc5: {  	v4 =	vld [tilespmem:s13+$0x18160];
	v1 =	vmul.f32 $1.442695020e+00, v1  }
0xc6: {  	v9 =	vld [tilespmem:s13+$0x18150];
	v3 =	vmul.f32 $1.442695020e+00, v3  }
0xc7: {  	v11 =	vld [tilespmem:s13+$0x18170];
	v5 =	vadd.f32 v6, v5;
	(erf) = vpow2.f32 v1  }
0xc8: {  	v1 =	vld [tilespmem:s13+$0x16170];
	(erf) = vpow2.f32 v3  }
0xc9: {  	v5 =	vsub.f32 $0.0e+00, v5  }
0xca: {  	v2 =	vadd.f32 v7, v2;
	v3 =	vadd.f32 v4, v10  }
0xcb: {  	v8 =	vadd.f32 v9, v8;
	v4 =	vmul.f32 $1.442695020e+00, v5  }
0xcc: {  	v6 =	vld [tilespmem:s13+$0x16180];
	v2 =	vsub.f32 $0.0e+00, v2;
	v3 =	vsub.f32 $0.0e+00, v3  }
0xcd: {  	v7 =	vld [tilespmem:s13+$0x18180];
	v5 =	vsub.f32 $0.0e+00, v8;
	(erf) = vpow2.f32 v4;
	v11 =	vadd.f32 v11, v1  }
0xce: {  	v2 =	vmul.f32 $1.442695020e+00, v2  }
0xcf: {  	v5 =	vmul.f32 $1.442695020e+00, v5  }
0xd0: {  	(erf) = vpow2.f32 v2;
	v2 =	vmul.f32 $1.442695020e+00, v3;
	v3 =	vpop (erf)  }
0xd1: {  	s8 =	simm.s32 $0x80;
	v12 =	vld [tilespmem:s13+$0x1A150];
	(erf) = vpow2.f32 v5;
	v5 =	vsub.f32 $0.0e+00, v11;
	v3 =	vadd.f32 $1.000000000e+00, v3;
	v11 =	vpop (erf)  }
0xd2: {  	v13 =	vld [tilespmem:s8+$0x18120];
	v6 =	vadd.f32 v7, v6;
	(erf) = vpow2.f32 v2;
	v11 =	vadd.f32 $1.000000000e+00, v11  }
0xd3: {  	v14 =	vld [tilespmem:s8+$0x16130];
	v5 =	vmul.f32 $1.442695020e+00, v5;
	(erf) = vrcp.f32 v3  }
0xd4: {  	v16 =	vld [tilespmem:s8+$0x18130];
	v6 =	vsub.f32 $0.0e+00, v6  }
0xd5: {  	v18 =	vld [tilespmem:s8+$0x16140];
	(erf) = vpow2.f32 v5  }
0xd6: {  	v2 =	vld [tilespmem:s8+$0x16190];
	v6 =	vmul.f32 $1.442695020e+00, v6;
	(erf) = vrcp.f32 v11;
	v11 =	vpop (erf)  }
0xd7: {  	v3 =	vld [tilespmem:s8+$0x18190];
	v11 =	vadd.f32 $1.000000000e+00, v11  }
0xd8: {  	v5 =	vld [tilespmem:s13+$0x1A190]  }
0xd9: {  	v19 =	vld [tilespmem:s8+$0x18140];
	v17 =	vpop (erf)  }
0xda: {  	v7 =	vld [tilespmem:s8+$0x16120];
	(erf) = vpow2.f32 v6;
	v6 =	vpop (erf)  }
0xdb: {  	v20 =	vld [tilespmem:s8+$0x16150];
	(erf) = vrcp.f32 v11;
	v11 =	vpop (erf)  }
0xdc: {  	v9 =	vld [tilespmem:s13+$0x1A120];
	v2 =	vadd.f32 v3, v2;
	v21 =	vpop (erf)  }
0xdd: {  	v22 =	vld [tilespmem:s8+$0x18150];
	v17 =	vadd.f32 $1.000000000e+00, v17;
	v3 =	vmul.f32 v21, v5  }
0xde: {  	v61 =	vld [tilespmem:s8+$0x16160];
	v2 =	vsub.f32 $0.0e+00, v2  }
0xdf: {  	(erf) = vrcp.f32 v17;
	v17 =	vld [tilespmem:s8+$0x18160];
	v5 =	vadd.f32 v13, v7;
	v7 =	vpop (erf);
	[tilespmem:s13+$0x1C190] =	vst v3;
	v3 =	vadd.f32 $1.000000000e+00, v6  }
0xe0: {  	v10 =	vld [tilespmem:s13+$0x1A130];
	v2 =	vmul.f32 $1.442695020e+00, v2;
	v6 =	vpop (erf)  }
0xe1: {  	v8 =	vld [tilespmem:s13+$0x1A140];
	v5 =	vsub.f32 $0.0e+00, v5;
	(erf) = vrcp.f32 v3;
	v3 =	vmul.f32 v6, v9  }
0xe2: {  	v11 =	vadd.f32 $1.000000000e+00, v11;
	v13 =	vld [tilespmem:s8+$0x16170]  }
0xe3: {  	v23 =	vld [tilespmem:s8+$0x18170];
	v5 =	vmul.f32 $1.442695020e+00, v5;
	(erf) = vpow2.f32 v2  }
0xe4: {  	v14 =	vadd.f32 v16, v14;
	v24 =	vld [tilespmem:s8+$0x18180];
	v2 =	vpop (erf);
	(erf) = vrcp.f32 v11;
	v11 =	vadd.f32 v19, v18  }
0xe5: {  	v7 =	vadd.f32 $1.000000000e+00, v7;
	v9 =	vld [tilespmem:s8+$0x16180];
	[tilespmem:s13+$0x1C120] =	vst v3;
	v3 =	vpop (erf);
	(erf) = vpow2.f32 v5  }
0xe6: {  	v15 =	vld [tilespmem:s13+$0x1A160];
	v11 =	vsub.f32 $0.0e+00, v11;
	v3 =	vmul.f32 v3, v10;
	v10 =	vsub.f32 $0.0e+00, v14  }
0xe7: {  	v4 =	vld [tilespmem:s13+$0x1A170];
	v17 =	vadd.f32 v17, v61;
	v14 =	vadd.f32 v22, v20;
	(erf) = vrcp.f32 v7  }
0xe8: {  	v1 =	vld [tilespmem:s13+$0x1A180];
	v16 =	vpop (erf);
	v11 =	vmul.f32 $1.442695020e+00, v11;
	v10 =	vmul.f32 $1.442695020e+00, v10  }
0xe9: {  	v6 =	vld [tilespmem:s8+$0x1A120];
	v8 =	vmul.f32 v16, v8;
	v16 =	vsub.f32 $0.0e+00, v17;
	v14 =	vsub.f32 $0.0e+00, v14  }
0xea: {  	v5 =	vld [tilespmem:s8+$0x1A130];
	v13 =	vadd.f32 v23, v13;
	[tilespmem:s13+$0x1C130] =	vst v3;
	(erf) = vpow2.f32 v10;
	v10 =	vadd.f32 $1.000000000e+00, v2  }
0xeb: {  	v3 =	vld [tilespmem:s8+$0x1A140];
	v2 =	vmul.f32 $1.442695020e+00, v14;
	v14 =	vmul.f32 $1.442695020e+00, v16;
	v16 =	vadd.f32 v24, v9  }
0xec: {  	v7 =	vld [tilespmem:s8+$0x1A150];
	[tilespmem:s13+$0x1C140] =	vst v8;
	(erf) = vpow2.f32 v11;
	v11 =	vpop (erf)  }
0xed: {  	v13 =	vsub.f32 $0.0e+00, v13;
	v8 =	vld [tilespmem:s8+$0x1A160];
	v17 =	vpop (erf)  }
0xee: {  	v9 =	vld [tilespmem:s8+$0x1A170];
	(erf) = vpow2.f32 v2;
	v62 =	vmul.f32 v11, v12;
	v17 =	vadd.f32 $1.000000000e+00, v17;
	v63 =	vpop (erf)  }
0xef: {  	s16 =	simm.s32 $0x100;
	v2 =	vld [tilespmem:s8+$0x1A180];
	v12 =	vmul.f32 $1.442695020e+00, v13;
	v13 =	vsub.f32 $0.0e+00, v16;
	(erf) = vpow2.f32 v14;
	v16 =	vpop (erf)  }
0xf0: {  	s18 =	simm.s32 $0x600;
	v11 =	vld [tilespmem:s16+$0x16190];
	[tilespmem:s13+$0x1C150] =	vst v62;
	v15 =	vmul.f32 v63, v15;
	v14 =	vadd.f32 $1.000000000e+00, v16;
	(erf) = vrcp.f32 v17  }
.LBB2_4:
0xf1: {  	p0 =	sne.s32 s18, $0x3E00;
	v16 =	vld [tilespmem:s16+$0x18190];
	v13 =	vmul.f32 $1.442695020e+00, v13;
	(erf) = vpow2.f32 v12;
	v12 =	vpop (erf);
	v17 =	vmov v7  }
0xf2: {  	v7 =	vld [tilespmem:s16+$0x16120];
	(erf) = vrcp.f32 v14;
	[tilespmem:s13+$0x1C160] =	vst v15;
	v18 =	vmul.f32 v12, v4;
	v15 =	vmov v8  }
0xf3: {  	v8 =	vld [tilespmem:s16+$0x18120];
	v14 =	vpop (erf);
	(erf) = vpow2.f32 v13;
	v4 =	vmov v9  }
0xf4: {  	v9 =	vld [tilespmem:s16+$0x16130];
	v13 =	vadd.f32 $1.000000000e+00, v14;
	[tilespmem:s13+$0x1C170] =	vst v18;
	(erf) = vrcp.f32 v10  }
0xf5: {  	v10 =	vld [tilespmem:s8+$0x1A190];
	v12 =	vpop (erf)  }
0xf6: {  	v14 =	vld [tilespmem:s16+$0x18130];
	v11 =	vadd.f32 v16, v11;
	v18 =	vadd.f32 $1.000000000e+00, v12;
	(erf) = vrcp.f32 v13  }
0xf7: {  	v13 =	vld [tilespmem:s16+$0x16140];
	v16 =	vpop (erf)  }
0xf8: {  	v7 =	vadd.f32 v8, v7;
	v8 =	vld [tilespmem:s16+$0x18140];
	v11 =	vsub.f32 $0.0e+00, v11;
	(erf) = vrcp.f32 v18;
	v12 =	vpop (erf)  }
0xf9: {  	v16 =	vadd.f32 $1.000000000e+00, v16;
	v18 =	vld [tilespmem:s16+$0x16150];
	v12 =	vadd.f32 $1.000000000e+00, v12;
	v19 =	vpop (erf)  }
0xfa: {  	v7 =	vsub.f32 $0.0e+00, v7;
	v20 =	vld [tilespmem:s16+$0x18150];
	v11 =	vmul.f32 $1.442695020e+00, v11;
	v22 =	vmul.f32 v19, v10;
	v19 =	vpop (erf)  }
0xfb: {  	v9 =	vadd.f32 v14, v9;
	v14 =	vld [tilespmem:s16+$0x16160];
	v19 =	vadd.f32 $1.000000000e+00, v19;
	v21 =	vpop (erf);
	(erf) = vrcp.f32 v16  }
0xfc: {  	v7 =	vmul.f32 $1.442695020e+00, v7;
	v16 =	vld [tilespmem:s16+$0x18160];
	(erf) = vpow2.f32 v11;
	[tilespmem:s8+$0x1C190] =	vst v22;
	v10 =	vpop (erf)  }
0xfd: {  	v9 =	vsub.f32 $0.0e+00, v9;
	v8 =	vadd.f32 v8, v13;
	v11 =	vld [tilespmem:s16+$0x16170];
	(erf) = vrcp.f32 v12;
	v12 =	vpop (erf)  }
0xfe: {  	v6 =	vmul.f32 v21, v6;
	v10 =	vadd.f32 $1.000000000e+00, v10;
	v13 =	vld [tilespmem:s16+$0x18170];
	(erf) = vpow2.f32 v7  }
0xff: {  	v7 =	vmul.f32 $1.442695020e+00, v9;
	v8 =	vsub.f32 $0.0e+00, v8;
	v9 =	vadd.f32 v20, v18;
	v18 =	vld [tilespmem:s16+$0x16180];
	v20 =	vpop (erf)  }
0x100: {  	v21 =	vld [tilespmem:s16+$0x18180];
	[tilespmem:s8+$0x1C120] =	vst v6;
	v20 =	vmul.f32 v20, v5;
	(erf) = vrcp.f32 v19  }
0x101: {  	v6 =	vld [tilespmem:s16+$0x1A120];
	v8 =	vmul.f32 $1.442695020e+00, v8;
	v9 =	vsub.f32 $0.0e+00, v9;
	v14 =	vadd.f32 v16, v14;
	v16 =	vpop (erf)  }
0x102: {  	v5 =	vld [tilespmem:s16+$0x1A130];
	(erf) = vpow2.f32 v7;
	[tilespmem:s8+$0x1C130] =	vst v20;
	v20 =	vmul.f32 v16, v3  }
0x103: {  	v3 =	vld [tilespmem:s16+$0x1A140];
	v19 =	vmul.f32 $1.442695020e+00, v9;
	v9 =	vsub.f32 $0.0e+00, v14;
	v11 =	vadd.f32 v13, v11  }
.Ltmp5:
0x104: {  	v12 =	vmul.f32 v12, v1;
	v1 =	vmov v2;
	v7 =	vld [tilespmem:s16+$0x1A150];
	(erf) = vpow2.f32 v8;
	[tilespmem:s8+$0x1C140] =	vst v20;
	v13 =	vpop (erf);
	(pc) =	sbr.rel @p0 .LBB2_4-.Ltmp5, $4  }
0x105: {  	v14 =	vmul.f32 $1.442695020e+00, v9;
	v8 =	vld [tilespmem:s16+$0x1A160];
	v2 =	vsub.f32 $0.0e+00, v11;
	v11 =	vadd.f32 v21, v18;
	v16 =	vpop (erf)  }
0x106: {  	v17 =	vmul.f32 v13, v17;
	v9 =	vld [tilespmem:s16+$0x1A170];
	v16 =	vadd.f32 $1.000000000e+00, v16;
	(erf) = vpow2.f32 v19;
	v18 =	vpop (erf);
	[tilespmem:s13+$0x1C180] =	vst v12;
	s13 =	smov.u32 s8;
	s8 =	smov.u32 s16  }
0x107: {  	s16 =	sshra.s32 s18, $0x2;
	v12 =	vmul.f32 $1.442695020e+00, v2;
	v13 =	vsub.f32 $0.0e+00, v11;
	v2 =	vld [tilespmem:s8+$0x1A180];
	v19 =	vpop (erf);
	(erf) = vpow2.f32 v14  }
0x108: {  	s18 =	sadd.s32 $0x200, s18;
	v15 =	vmul.f32 v18, v15;
	v11 =	vld [tilespmem:s16+$0x16190];
	v14 =	vadd.f32 $1.000000000e+00, v19;
	(erf) = vrcp.f32 v16;
	[tilespmem:s13+$0x1C150] =	vst v17  }
0x109: {  	v16 =	vld [tilespmem:s16+$0x18190];
	v18 =	vpop (erf)  }
0x10a: {  	v17 =	vld [tilespmem:s16+$0x16120];
	[tilespmem:s13+$0x1C160] =	vst v15;
	v4 =	vmul.f32 v18, v4  }
0x10b: {  	v15 =	vld [tilespmem:s16+$0x18120]  }
0x10c: {  	v38 =	vld [tilespmem:s16+$0x16130];
	[tilespmem:s13+$0x1C170] =	vst v4  }
0x10d: {  	v39 =	vmul.f32 $1.442695020e+00, v13;
	(erf) = vpow2.f32 v12;
	v40 =	vld [tilespmem:s8+$0x1A190]  }
0x10e: {  	(erf) = vrcp.f32 v14;
	v41 =	vpop (erf);
	v42 =	vld [tilespmem:s16+$0x18130]  }
0x10f: {  	(erf) = vpow2.f32 v39;
	v43 =	vadd.f32 $1.000000000e+00, v41;
	v44 =	vpop (erf);
	v45 =	vld [tilespmem:s16+$0x16140];
	v11 =	vadd.f32 v16, v11  }
0x110: {  	(erf) = vrcp.f32 v10;
	v19 =	vld [tilespmem:s16+$0x18140];
	v46 =	vadd.f32 $1.000000000e+00, v44;
	v47 =	vpop (erf)  }
0x111: {  	v50 =	vld [tilespmem:s16+$0x16150];
	(erf) = vrcp.f32 v43;
	v48 =	vadd.f32 v15, v17;
	v11 =	vsub.f32 $0.0e+00, v11;
	v49 =	vpop (erf)  }
0x112: {  	v20 =	vld [tilespmem:s16+$0x18150];
	(erf) = vrcp.f32 v46;
	v51 =	vadd.f32 $1.000000000e+00, v47;
	v52 =	vpop (erf)  }
0x113: {  	v53 =	vld [tilespmem:s16+$0x16160];
	v4 =	vsub.f32 $0.0e+00, v48;
	v11 =	vmul.f32 $1.442695020e+00, v11;
	v12 =	vmul.f32 v52, v40  }
0x114: {  	v54 =	vld [tilespmem:s16+$0x18160];
	v15 =	vadd.f32 $1.000000000e+00, v49;
	(erf) = vrcp.f32 v51  }
0x115: {  	v4 =	vmul.f32 $1.442695020e+00, v4;
	(erf) = vpow2.f32 v11;
	[tilespmem:s8+$0x1C190] =	vst v12  }
0x116: {  	v55 =	vadd.f32 v42, v38;
	v12 =	vld [tilespmem:s16+$0x16170];
	(erf) = vrcp.f32 v15  }
0x117: {  	v56 =	vpop (erf);
	v57 =	vadd.f32 v19, v45;
	v58 =	vld [tilespmem:s16+$0x18170];
	(erf) = vpow2.f32 v4  }
0x118: {  	v17 =	vadd.f32 v20, v50;
	v60 =	vpop (erf);
	v11 =	vsub.f32 $0.0e+00, v55;
	v61 =	vld [tilespmem:s16+$0x16180]  }
0x119: {  	v10 =	vadd.f32 v54, v53;
	v59 =	vadd.f32 $1.000000000e+00, v56;
	v62 =	vpop (erf);
	v63 =	vld [tilespmem:s16+$0x18180]  }
0x11a: {  	v6 =	vmul.f32 v60, v6;
	v15 =	vsub.f32 $0.0e+00, v57;
	v21 =	vpop (erf);
	v11 =	vmul.f32 $1.442695020e+00, v11  }
0x11b: {  	v26 =	vsub.f32 $0.0e+00, v17;
	v10 =	vsub.f32 $0.0e+00, v10;
	(erf) = vrcp.f32 v59;
	v24 =	vpop (erf)  }
0x11c: {  	v25 =	vmul.f32 $1.442695020e+00, v15;
	(erf) = vpow2.f32 v11;
	v27 =	vpop (erf);
	v28 =	vadd.f32 v58, v12  }
0x11d: {  	v29 =	vmul.f32 $1.442695020e+00, v26;
	v10 =	vmul.f32 $1.442695020e+00, v10;
	v30 =	vpop (erf)  }
0x11e: {  	(erf) = vpow2.f32 v25;
	v31 =	vadd.f32 v63, v61;
	v11 =	vsub.f32 $0.0e+00, v28;
	v32 =	vpop (erf)  }
0x11f: {  	v5 =	vmul.f32 v24, v5;
	(erf) = vpow2.f32 v29;
	v33 =	vadd.f32 $1.000000000e+00, v32;
	v34 =	vpop (erf)  }
0x120: {  	[tilespmem:s8+$0x1C120] =	vst v6;
	v14 =	vsub.f32 $0.0e+00, v31;
	v11 =	vmul.f32 $1.442695020e+00, v11;
	v36 =	vpop (erf);
	(erf) = vpow2.f32 v10  }
0x121: {  	v35 =	vld [tilespmem:s16+$0x1A120];
	v3 =	vmul.f32 v27, v3;
	v16 =	vadd.f32 $1.000000000e+00, v36;
	(erf) = vrcp.f32 v33  }
0x122: {  	v37 =	vld [tilespmem:s16+$0x1A130];
	[tilespmem:s8+$0x1C130] =	vst v5;
	v38 =	vmul.f32 $1.442695020e+00, v14;
	(erf) = vpow2.f32 v11  }
0x123: {  	v39 =	vld [tilespmem:s16+$0x1A140];
	(erf) = vrcp.f32 v16  }
0x124: {  	v1 =	vmul.f32 v21, v1;
	v40 =	vld [tilespmem:s16+$0x1A150];
	[tilespmem:s8+$0x1C140] =	vst v3;
	v41 =	vpop (erf);
	(erf) = vpow2.f32 v38  }
0x125: {  	v43 =	vadd.f32 $1.000000000e+00, v62;
	v3 =	vld [tilespmem:s16+$0x1A160];
	v42 =	vpop (erf)  }
0x126: {  	v4 =	vmul.f32 v30, v7;
	v44 =	vld [tilespmem:s16+$0x1A170];
	[tilespmem:s13+$0x1C180] =	vst v1;
	v1 =	vadd.f32 $1.000000000e+00, v42  }
0x127: {  	v8 =	vmul.f32 v34, v8;
	v45 =	vpop (erf);
	(erf) = vrcp.f32 v43  }
0x128: {  	v47 =	vld [tilespmem:s16+$0x1A180];
	[tilespmem:s8+$0x1C150] =	vst v4;
	v50 =	vmul.f32 v41, v9;
	v46 =	vpop (erf);
	(erf) = vrcp.f32 v1  }
0x129: {  	[tilespmem:s8+$0x1C160] =	vst v8;
	v48 =	vadd.f32 $1.000000000e+00, v45;
	v49 =	vpop (erf)  }
0x12a: {  	[tilespmem:s8+$0x1C170] =	vst v50;
	v1 =	vpop (erf)  }
0x12b: {  	v51 =	vadd.f32 $1.000000000e+00, v46;
	v55 =	vld [tilespmem:s16+$0x1A190];
	(erf) = vrcp.f32 v48;
	v52 =	vpop (erf)  }
0x12c: {  	v53 =	vadd.f32 $1.000000000e+00, v49;
	v54 =	vpop (erf)  }
0x12d: {  	(erf) = vrcp.f32 v51;
	v7 =	vadd.f32 $1.000000000e+00, v52;
	v56 =	vpop (erf)  }
0x12e: {  	(erf) = vrcp.f32 v53;
	v57 =	vadd.f32 $1.000000000e+00, v56  }
0x12f: {  	(erf) = vrcp.f32 v7  }
0x130: {  	v1 =	vmul.f32 v1, v55;
	v58 =	vpop (erf);
	(erf) = vrcp.f32 v57  }
0x131: {  	v60 =	vpop (erf)  }
0x132: {  	[tilespmem:s16+$0x1C190] =	vst v1;
	v1 =	vmul.f32 v60, v37  }
0x133: {  	v59 =	vmul.f32 v54, v35  }
0x134: {  	v61 =	vpop (erf)  }
0x135: {  	[tilespmem:s16+$0x1C120] =	vst v59;
	v62 =	vmul.f32 v61, v39  }
0x136: {  	v2 =	vmul.f32 v58, v2;
	[tilespmem:s16+$0x1C130] =	vst v1;
	v1 =	vpop (erf)  }
0x137: {  	[tilespmem:s16+$0x1C140] =	vst v62;
	v1 =	vmul.f32 v1, v40;
	v63 =	vpop (erf)  }
0x138: {  	[tilespmem:s8+$0x1C180] =	vst v2;
	v2 =	vmul.f32 v63, v3;
	v3 =	vpop (erf)  }
0x139: {  	[tilespmem:s16+$0x1C150] =	vst v1;
	v1 =	vmul.f32 v3, v44;
	v3 =	vpop (erf)  }
0x13a: {  	[tilespmem:s16+$0x1C160] =	vst v2;
	v2 =	vmul.f32 v3, v47  }
0x13b: {  	[tilespmem:s16+$0x1C170] =	vst v1  }
0x13c: {  	[tilespmem:s16+$0x1C180] =	vst v2  }
0x13d: {  	[spmem:s4] =	stream.indirect.scatter.add.f32 [tilespmem:s3], [sflag:$0x5], $0x80, s31, s22, $0xb8;
	[tilespmem:$0x1E320] =	vst v63  }
.Ltmp6:
0x13e: {  	_ = 	snop;
	(pc) =	sbr.rel .LBB2_9-.Ltmp6, $4  }
0x13f: {  	_ =	swait.ge [sflag:s0], $0x1000  }
0x140: {  	[sflag:s0] =	ssyncset.done $0x0  }
0x141: {  	s8 =	simm.s32 $0x3;
	[sflag:s0] =	ssyncadd.s32 $0xFFFFF000  }
0x142: {  	[spmem:s5] =	stream.indirect.scatter.add.f32 [tilespmem:s21], [sflag:$0x3], $0x10, s31, s22, $0xb8;
	[tilespmem:$0x1E320] =	vst v63  }
.LBB2_6:
0x143: {  	s8 =	sshll.u32 s12, $0x7  }
0x144: {  	s8 =	sadd.s32 s15, s8  }
0x145: {  	[tilespmem:s24], [sflag:$0x5] =	stream.strided.gather [hbm4b:s8+s22], $0x80, s23, s22, $0x38;
	[tilespmem:$0x1E320] =	vst v63  }
0x146: {  	_ =	swait.ge [sflag:s0], $0x80  }
0x147: {  	[sflag:s0] =	ssyncset.done $0x0  }
0x148: {  	[sflag:s0] =	ssyncadd.s32 $0xFFFFFF80  }
0x149: {  	[tilespmem:s25], [sflag:$0x1] =	stream.indirect.gather [hbm4b:s7+s22], $0x80, s24, s22, $0xb8;
	[tilespmem:$0x1E320] =	vst v63  }
0x14a: {  	_ = 	snop  }
0x14b: {  	[tilespmem:s28], [sflag:$0x1] =	stream.indirect.gather [hbm4b:s7+s22], $0x80, s26, s22, $0xb8;
	[tilespmem:$0x1E320] =	vst v63  }
0x14c: {  	_ = 	snop  }
0x14d: {  	[tilespmem:s30], [sflag:$0x1] =	stream.indirect.gather [hbm4b:s1+s22], $0x80, s29, s22, $0xb8;
	[tilespmem:$0x1E320] =	vst v63  }
0x14e: {  	_ =	swait.ge [sflag:s20], $0x1000  }
0x14f: {  	[sflag:s20] =	ssyncset.done $0x0  }
0x150: {  	[sflag:s20] =	ssyncadd.s32 $0xFFFFF000  }
0x151: {  	_ =	swait.ge [sflag:s20], $0x1000  }
0x152: {  	[sflag:s20] =	ssyncset.done $0x0  }
0x153: {  	[sflag:s20] =	ssyncadd.s32 $0xFFFFF000  }
0x154: {  	_ =	swait.ge [sflag:s20], $0x1000  }
0x155: {  	[sflag:s20] =	ssyncset.done $0x0  }
0x156: {  	s13 =	simm.s32 $0x0;
	[sflag:s20] =	ssyncadd.s32 $0xFFFFF000  }
0x157: {  	v1 =	vld [tilespmem:s13+$0x17190]  }
0x158: {  	v2 =	vld [tilespmem:s13+$0x19190]  }
0x159: {  	v3 =	vld [tilespmem:s13+$0x17120]  }
0x15a: {  	v4 =	vld [tilespmem:s13+$0x19120];
	_ =	sdelay $0x1  }
0x15b: {  	v5 =	vld [tilespmem:s13+$0x17130]  }
0x15c: {  	v6 =	vld [tilespmem:s13+$0x19130]  }
0x15d: {  	v7 =	vld [tilespmem:s13+$0x19140];
	v1 =	vadd.f32 v2, v1  }
0x15e: {  	v8 =	vld [tilespmem:s13+$0x17150];
	v3 =	vadd.f32 v4, v3  }
0x15f: {  	v10 =	vld [tilespmem:s13+$0x17160];
	v1 =	vsub.f32 $0.0e+00, v1  }
0x160: {  	v2 =	vld [tilespmem:s13+$0x17140];
	v3 =	vsub.f32 $0.0e+00, v3  }
0x161: {  	v4 =	vld [tilespmem:s13+$0x19160];
	v1 =	vmul.f32 $1.442695020e+00, v1  }
0x162: {  	v9 =	vld [tilespmem:s13+$0x19150];
	v3 =	vmul.f32 $1.442695020e+00, v3  }
0x163: {  	v11 =	vld [tilespmem:s13+$0x19170];
	v5 =	vadd.f32 v6, v5;
	(erf) = vpow2.f32 v1  }
0x164: {  	v1 =	vld [tilespmem:s13+$0x17170];
	(erf) = vpow2.f32 v3  }
0x165: {  	v5 =	vsub.f32 $0.0e+00, v5  }
0x166: {  	v2 =	vadd.f32 v7, v2;
	v3 =	vadd.f32 v4, v10  }
0x167: {  	v8 =	vadd.f32 v9, v8;
	v4 =	vmul.f32 $1.442695020e+00, v5  }
0x168: {  	v6 =	vld [tilespmem:s13+$0x17180];
	v2 =	vsub.f32 $0.0e+00, v2;
	v3 =	vsub.f32 $0.0e+00, v3  }
0x169: {  	v7 =	vld [tilespmem:s13+$0x19180];
	v5 =	vsub.f32 $0.0e+00, v8;
	(erf) = vpow2.f32 v4;
	v11 =	vadd.f32 v11, v1  }
0x16a: {  	v2 =	vmul.f32 $1.442695020e+00, v2  }
0x16b: {  	v5 =	vmul.f32 $1.442695020e+00, v5  }
0x16c: {  	(erf) = vpow2.f32 v2;
	v2 =	vmul.f32 $1.442695020e+00, v3;
	v3 =	vpop (erf)  }
0x16d: {  	s8 =	simm.s32 $0x80;
	v12 =	vld [tilespmem:s13+$0x1B150];
	(erf) = vpow2.f32 v5;
	v5 =	vsub.f32 $0.0e+00, v11;
	v3 =	vadd.f32 $1.000000000e+00, v3;
	v11 =	vpop (erf)  }
0x16e: {  	v13 =	vld [tilespmem:s8+$0x19120];
	v6 =	vadd.f32 v7, v6;
	(erf) = vpow2.f32 v2;
	v11 =	vadd.f32 $1.000000000e+00, v11  }
0x16f: {  	v14 =	vld [tilespmem:s8+$0x17130];
	v5 =	vmul.f32 $1.442695020e+00, v5;
	(erf) = vrcp.f32 v3  }
0x170: {  	v16 =	vld [tilespmem:s8+$0x19130];
	v6 =	vsub.f32 $0.0e+00, v6  }
0x171: {  	v18 =	vld [tilespmem:s8+$0x17140];
	(erf) = vpow2.f32 v5  }
0x172: {  	v2 =	vld [tilespmem:s8+$0x17190];
	v6 =	vmul.f32 $1.442695020e+00, v6;
	(erf) = vrcp.f32 v11;
	v11 =	vpop (erf)  }
0x173: {  	v3 =	vld [tilespmem:s8+$0x19190];
	v11 =	vadd.f32 $1.000000000e+00, v11  }
0x174: {  	v5 =	vld [tilespmem:s13+$0x1B190]  }
0x175: {  	v19 =	vld [tilespmem:s8+$0x19140];
	v17 =	vpop (erf)  }
0x176: {  	v7 =	vld [tilespmem:s8+$0x17120];
	(erf) = vpow2.f32 v6;
	v6 =	vpop (erf)  }
0x177: {  	v20 =	vld [tilespmem:s8+$0x17150];
	(erf) = vrcp.f32 v11;
	v11 =	vpop (erf)  }
0x178: {  	v9 =	vld [tilespmem:s13+$0x1B120];
	v2 =	vadd.f32 v3, v2;
	v21 =	vpop (erf)  }
0x179: {  	v22 =	vld [tilespmem:s8+$0x19150];
	v17 =	vadd.f32 $1.000000000e+00, v17;
	v3 =	vmul.f32 v21, v5  }
0x17a: {  	v61 =	vld [tilespmem:s8+$0x17160];
	v2 =	vsub.f32 $0.0e+00, v2  }
0x17b: {  	(erf) = vrcp.f32 v17;
	v17 =	vld [tilespmem:s8+$0x19160];
	v5 =	vadd.f32 v13, v7;
	v7 =	vpop (erf);
	[tilespmem:s13+$0x1D190] =	vst v3;
	v3 =	vadd.f32 $1.000000000e+00, v6  }
0x17c: {  	v10 =	vld [tilespmem:s13+$0x1B130];
	v2 =	vmul.f32 $1.442695020e+00, v2;
	v6 =	vpop (erf)  }
0x17d: {  	v8 =	vld [tilespmem:s13+$0x1B140];
	v5 =	vsub.f32 $0.0e+00, v5;
	(erf) = vrcp.f32 v3;
	v3 =	vmul.f32 v6, v9  }
0x17e: {  	v11 =	vadd.f32 $1.000000000e+00, v11;
	v13 =	vld [tilespmem:s8+$0x17170]  }
0x17f: {  	v23 =	vld [tilespmem:s8+$0x19170];
	v5 =	vmul.f32 $1.442695020e+00, v5;
	(erf) = vpow2.f32 v2  }
0x180: {  	v14 =	vadd.f32 v16, v14;
	v24 =	vld [tilespmem:s8+$0x19180];
	v2 =	vpop (erf);
	(erf) = vrcp.f32 v11;
	v11 =	vadd.f32 v19, v18  }
0x181: {  	v7 =	vadd.f32 $1.000000000e+00, v7;
	v9 =	vld [tilespmem:s8+$0x17180];
	[tilespmem:s13+$0x1D120] =	vst v3;
	v3 =	vpop (erf);
	(erf) = vpow2.f32 v5  }
0x182: {  	v15 =	vld [tilespmem:s13+$0x1B160];
	v11 =	vsub.f32 $0.0e+00, v11;
	v3 =	vmul.f32 v3, v10;
	v10 =	vsub.f32 $0.0e+00, v14  }
0x183: {  	v4 =	vld [tilespmem:s13+$0x1B170];
	v17 =	vadd.f32 v17, v61;
	v14 =	vadd.f32 v22, v20;
	(erf) = vrcp.f32 v7  }
0x184: {  	v1 =	vld [tilespmem:s13+$0x1B180];
	v16 =	vpop (erf);
	v11 =	vmul.f32 $1.442695020e+00, v11;
	v10 =	vmul.f32 $1.442695020e+00, v10  }
0x185: {  	v6 =	vld [tilespmem:s8+$0x1B120];
	v8 =	vmul.f32 v16, v8;
	v16 =	vsub.f32 $0.0e+00, v17;
	v14 =	vsub.f32 $0.0e+00, v14  }
0x186: {  	v5 =	vld [tilespmem:s8+$0x1B130];
	v13 =	vadd.f32 v23, v13;
	[tilespmem:s13+$0x1D130] =	vst v3;
	(erf) = vpow2.f32 v10;
	v10 =	vadd.f32 $1.000000000e+00, v2  }
0x187: {  	v3 =	vld [tilespmem:s8+$0x1B140];
	v2 =	vmul.f32 $1.442695020e+00, v14;
	v14 =	vmul.f32 $1.442695020e+00, v16;
	v16 =	vadd.f32 v24, v9  }
0x188: {  	v7 =	vld [tilespmem:s8+$0x1B150];
	[tilespmem:s13+$0x1D140] =	vst v8;
	(erf) = vpow2.f32 v11;
	v11 =	vpop (erf)  }
0x189: {  	v13 =	vsub.f32 $0.0e+00, v13;
	v8 =	vld [tilespmem:s8+$0x1B160];
	v17 =	vpop (erf)  }
0x18a: {  	v9 =	vld [tilespmem:s8+$0x1B170];
	(erf) = vpow2.f32 v2;
	v62 =	vmul.f32 v11, v12;
	v17 =	vadd.f32 $1.000000000e+00, v17;
	v63 =	vpop (erf)  }
0x18b: {  	s16 =	simm.s32 $0x100;
	v2 =	vld [tilespmem:s8+$0x1B180];
	v12 =	vmul.f32 $1.442695020e+00, v13;
	v13 =	vsub.f32 $0.0e+00, v16;
	(erf) = vpow2.f32 v14;
	v16 =	vpop (erf)  }
0x18c: {  	s18 =	simm.s32 $0x600;
	v11 =	vld [tilespmem:s16+$0x17190];
	[tilespmem:s13+$0x1D150] =	vst v62;
	v15 =	vmul.f32 v63, v15;
	v14 =	vadd.f32 $1.000000000e+00, v16;
	(erf) = vrcp.f32 v17  }
.LBB2_7:
0x18d: {  	p0 =	sne.s32 s18, $0x3E00;
	v16 =	vld [tilespmem:s16+$0x19190];
	v13 =	vmul.f32 $1.442695020e+00, v13;
	(erf) = vpow2.f32 v12;
	v12 =	vpop (erf);
	v17 =	vmov v7  }
0x18e: {  	v7 =	vld [tilespmem:s16+$0x17120];
	(erf) = vrcp.f32 v14;
	[tilespmem:s13+$0x1D160] =	vst v15;
	v18 =	vmul.f32 v12, v4;
	v15 =	vmov v8  }
0x18f: {  	v4 =	vmov v9;
	v8 =	vld [tilespmem:s16+$0x19120];
	v14 =	vpop (erf);
	(erf) = vpow2.f32 v13  }
0x190: {  	v9 =	vld [tilespmem:s16+$0x17130];
	v13 =	vadd.f32 $1.000000000e+00, v14;
	[tilespmem:s13+$0x1D170] =	vst v18;
	(erf) = vrcp.f32 v10  }
0x191: {  	v10 =	vld [tilespmem:s8+$0x1B190];
	v12 =	vpop (erf)  }
0x192: {  	v14 =	vld [tilespmem:s16+$0x19130];
	v11 =	vadd.f32 v16, v11;
	v18 =	vadd.f32 $1.000000000e+00, v12;
	(erf) = vrcp.f32 v13  }
0x193: {  	v13 =	vld [tilespmem:s16+$0x17140];
	v16 =	vpop (erf)  }
0x194: {  	v7 =	vadd.f32 v8, v7;
	v8 =	vld [tilespmem:s16+$0x19140];
	v11 =	vsub.f32 $0.0e+00, v11;
	(erf) = vrcp.f32 v18;
	v12 =	vpop (erf)  }
0x195: {  	v16 =	vadd.f32 $1.000000000e+00, v16;
	v18 =	vld [tilespmem:s16+$0x17150];
	v12 =	vadd.f32 $1.000000000e+00, v12;
	v19 =	vpop (erf)  }
0x196: {  	v7 =	vsub.f32 $0.0e+00, v7;
	v20 =	vld [tilespmem:s16+$0x19150];
	v11 =	vmul.f32 $1.442695020e+00, v11;
	v22 =	vmul.f32 v19, v10;
	v19 =	vpop (erf)  }
0x197: {  	v9 =	vadd.f32 v14, v9;
	v14 =	vld [tilespmem:s16+$0x17160];
	v19 =	vadd.f32 $1.000000000e+00, v19;
	v21 =	vpop (erf);
	(erf) = vrcp.f32 v16  }
0x198: {  	v7 =	vmul.f32 $1.442695020e+00, v7;
	v16 =	vld [tilespmem:s16+$0x19160];
	(erf) = vpow2.f32 v11;
	[tilespmem:s8+$0x1D190] =	vst v22;
	v10 =	vpop (erf)  }
0x199: {  	v9 =	vsub.f32 $0.0e+00, v9;
	v8 =	vadd.f32 v8, v13;
	v11 =	vld [tilespmem:s16+$0x17170];
	(erf) = vrcp.f32 v12;
	v12 =	vpop (erf)  }
0x19a: {  	v6 =	vmul.f32 v21, v6;
	v10 =	vadd.f32 $1.000000000e+00, v10;
	v13 =	vld [tilespmem:s16+$0x19170];
	(erf) = vpow2.f32 v7  }
0x19b: {  	v7 =	vmul.f32 $1.442695020e+00, v9;
	v8 =	vsub.f32 $0.0e+00, v8;
	v9 =	vadd.f32 v20, v18;
	v18 =	vld [tilespmem:s16+$0x17180];
	v20 =	vpop (erf)  }
0x19c: {  	v21 =	vld [tilespmem:s16+$0x19180];
	[tilespmem:s8+$0x1D120] =	vst v6;
	v20 =	vmul.f32 v20, v5;
	(erf) = vrcp.f32 v19  }
0x19d: {  	v6 =	vld [tilespmem:s16+$0x1B120];
	v8 =	vmul.f32 $1.442695020e+00, v8;
	v9 =	vsub.f32 $0.0e+00, v9;
	v14 =	vadd.f32 v16, v14;
	v16 =	vpop (erf)  }
0x19e: {  	v5 =	vld [tilespmem:s16+$0x1B130];
	(erf) = vpow2.f32 v7;
	[tilespmem:s8+$0x1D130] =	vst v20;
	v20 =	vmul.f32 v16, v3  }
0x19f: {  	v3 =	vld [tilespmem:s16+$0x1B140];
	v19 =	vmul.f32 $1.442695020e+00, v9;
	v9 =	vsub.f32 $0.0e+00, v14;
	v11 =	vadd.f32 v13, v11  }
.Ltmp7:
0x1a0: {  	v12 =	vmul.f32 v12, v1;
	v1 =	vmov v2;
	v7 =	vld [tilespmem:s16+$0x1B150];
	(erf) = vpow2.f32 v8;
	[tilespmem:s8+$0x1D140] =	vst v20;
	v13 =	vpop (erf);
	(pc) =	sbr.rel @p0 .LBB2_7-.Ltmp7, $4  }
0x1a1: {  	v14 =	vmul.f32 $1.442695020e+00, v9;
	v8 =	vld [tilespmem:s16+$0x1B160];
	v2 =	vsub.f32 $0.0e+00, v11;
	v11 =	vadd.f32 v21, v18;
	v16 =	vpop (erf)  }
0x1a2: {  	v17 =	vmul.f32 v13, v17;
	v9 =	vld [tilespmem:s16+$0x1B170];
	v16 =	vadd.f32 $1.000000000e+00, v16;
	(erf) = vpow2.f32 v19;
	v18 =	vpop (erf);
	[tilespmem:s13+$0x1D180] =	vst v12;
	s13 =	smov.u32 s8;
	s8 =	smov.u32 s16  }
0x1a3: {  	s16 =	sshra.s32 s18, $0x2;
	v12 =	vmul.f32 $1.442695020e+00, v2;
	v13 =	vsub.f32 $0.0e+00, v11;
	v2 =	vld [tilespmem:s8+$0x1B180];
	v19 =	vpop (erf);
	(erf) = vpow2.f32 v14  }
0x1a4: {  	s18 =	sadd.s32 $0x200, s18;
	v15 =	vmul.f32 v18, v15;
	v11 =	vld [tilespmem:s16+$0x17190];
	v14 =	vadd.f32 $1.000000000e+00, v19;
	(erf) = vrcp.f32 v16;
	[tilespmem:s13+$0x1D150] =	vst v17  }
.Ltmp8:
0x1a5: {  	_ = 	snop;
	(pc) =	sbr.rel .LBB2_8-.Ltmp8, $1  }
0x1a6: {  	_ =	sdelay $0x3  }
.LBB2_11:
0x1a7: {  	_ =	sfence.sel $0x180000  }
0x1a8: {  	[bflag:$0x0] =	sbarrier.arrive $0xFFFF  }
0x1a9: {  	_ =	strace $0x90000047  }
0x1aa: {  	s0 =	stileid.u32;
	[bflag:$0x2] =	sbarrier.arrive $0xFFFF  }
0x1ab: {  	p0 =	sne.s32 s0, $0x0;
	s0 =	rddreg [dreg:$0x5]  }
0x1ac: {  	s0 =	sadd.s32 @!p0 $0x100000, s0  }
0x1ad: {  	[sflag:s0] =	ssyncadd.tile.s32 @!p0 $0x1;
	_ =	shalt  }
.Lfunc_end2:
_tile_overlayer_lowered:
.L_overlay_start_2:
0x1ae: {  	(tag) =	ssettag $0x2  }
0x1af: {  	s0 =	rddreg [dreg:$0x0];
	s2 =	stileid.u32  }
0x1b0: {  	s1 =	rddreg [dreg:$0x1];
	p0 =	sne.s32 s2, $0x0  }
0x1b1: {  	s3 =	rddreg [dreg:$0x2];
	[bflag:$0x3] =	sbarrier.arrive $0xFFFF;
	s2 =	simm.s32 @!p0 $0x1C03  }
0x1b2: {  	[timem:s3], [sflag:s2] =	dma.local @!p0 [hbm:s0], s1  }
0x1b3: {  	s0 =	simm.s32 @!p0 $0x3  }
0x1b4: {  	_ =	swait.ge @!p0 [sflag:s0], s1  }
0x1b5: {  	s1 =	ssub.s32 @!p0 $0x0, s1;
	[sflag:s0] =	ssyncset.done @!p0 $0x0  }
0x1b6: {  	[sflag:s0] =	ssyncadd.s32 @!p0 s1  }
0x1b7: {  	[bflag:$0x3] =	sbarrier.arrive $0xFFFF  }
0x1b8: {  	_ =	shalt  }

</sc_bundles>
